<compile_context>
chip_gen: v7x
topology: tpu7x:2x2x1
jax: 0.10.2.dev20260603
libtpu: 0.0.44.dev20260713+nightly
codegen_flags: <defaults>
</compile_context>

<pallas_src>
import functools

import jax
import jax.numpy as jnp
from jax import lax
from jax.experimental import pallas as pl
from jax.experimental.pallas import tpu as pltpu, tpu_sc as plsc

_E = 8
_TOPK = 2
_T = 64
_D = 1024
_F = 4096
_BF = 1024
_NF = _F // _BF
_L = 16


def _routing_body(rt0_hbm, rt1_hbm, rw0_hbm, rw1_hbm, tw_hbm,
                  rt0_v, rt1_v, rw0_v, rw1_v, tw_v):
    wid = lax.axis_index("s") * 2 + lax.axis_index("c")

    @pl.when(wid == 0)
    def _work():
        pltpu.sync_copy(rt0_hbm, rt0_v)
        pltpu.sync_copy(rt1_hbm, rt1_v)
        pltpu.sync_copy(rw0_hbm, rw0_v)
        pltpu.sync_copy(rw1_hbm, rw1_v)
        for e in range(_E):
            for c in range(_T // _L):
                sl = pl.ds(c * _L, _L)
                v = (jnp.where(rt0_v[sl] == e, rw0_v[sl], 0.0)
                     + jnp.where(rt1_v[sl] == e, rw1_v[sl], 0.0))
                tw_v[pl.ds(e * _T + c * _L, _L)] = v
        pltpu.sync_copy(tw_v, tw_hbm)


@functools.partial(
    pl.kernel,
    mesh=plsc.VectorSubcoreMesh(core_axis_name="c", subcore_axis_name="s"),
    out_type=jax.ShapeDtypeStruct((_E * _T,), jnp.float32),
    scratch_types=[
        pltpu.VMEM((_T,), jnp.int32),
        pltpu.VMEM((_T,), jnp.int32),
        pltpu.VMEM((_T,), jnp.float32),
        pltpu.VMEM((_T,), jnp.float32),
        pltpu.VMEM((_E * _T,), jnp.float32),
    ],
)
def _routing_sc(rt0, rt1, rw0, rw1, tw, rt0_v, rt1_v, rw0_v, rw1_v, tw_v):
    _routing_body(rt0, rt1, rw0, rw1, tw, rt0_v, rt1_v, rw0_v, rw1_v, tw_v)


def _moe_body(tw_ref, x_ref, wg_ref, wu_ref, w2_ref, out_ref):
    e = pl.program_id(0)
    j = pl.program_id(1)

    @pl.when(jnp.logical_and(e == 0, j == 0))
    def _init():
        out_ref[...] = jnp.zeros_like(out_ref)

    tok_w = tw_ref[e, :][:, None]

    x = x_ref[...].astype(jnp.bfloat16)
    wg = wg_ref[0].astype(jnp.bfloat16)
    wu = wu_ref[0].astype(jnp.bfloat16)
    w2b = w2_ref[0].astype(jnp.bfloat16)

    g = jax.lax.dot_general(x, wg, (((1,), (1,)), ((), ())),
                            preferred_element_type=jnp.float32)
    u = jax.lax.dot_general(x, wu, (((1,), (1,)), ((), ())),
                            preferred_element_type=jnp.float32)
    h = (g * jax.nn.sigmoid(g)) * u * tok_w
    o = jax.lax.dot_general(h.astype(jnp.bfloat16), w2b,
                            (((1,), (1,)), ((), ())),
                            preferred_element_type=jnp.float32)
    out_ref[...] += o


def kernel(hidden_states, expert_routing_table, router_weights, w13, w2):
    rt = expert_routing_table.astype(jnp.int32)
    tw = _routing_sc(rt[:, 0], rt[:, 1],
                     router_weights[:, 0], router_weights[:, 1])
    tw = tw.reshape(_E, _T)
    return pl.pallas_call(
        _moe_body,
        grid=(_E, _NF),
        in_specs=[
            pl.BlockSpec((_E, _T), lambda e, j: (0, 0)),
            pl.BlockSpec((_T, _D), lambda e, j: (0, 0)),
            pl.BlockSpec((1, _BF, _D), lambda e, j: (e, j, 0)),
            pl.BlockSpec((1, _BF, _D), lambda e, j: (e, _NF + j, 0)),
            pl.BlockSpec((1, _D, _BF), lambda e, j: (e, 0, j)),
        ],
        out_specs=pl.BlockSpec((_T, _D), lambda e, j: (0, 0)),
        out_shape=jax.ShapeDtypeStruct((_T, _D), jnp.float32),
    )(tw, hidden_states, w13, w13, w2)

# --- scband reference (transcript-rebuilt; emitter-appended) ---
"""Pipeline reference for scband-vllm-mixture-of-experts-op-627065225257 (READ-ONLY COPY).

The authoritative reference and input builder live on the scoring server;
editing this copy changes nothing except your own understanding.
"""

import jax, jax.numpy as jnp
import numpy as np

E = 8
TOPK = 2
T = 64
D = 1024
F = 4096


def setup_inputs(seed: int = 0) -> dict:
    key = jax.random.key(seed)
    k1, k2, k3, k4, k5 = jax.random.split(key, 5)
    hidden_states = jax.random.normal(k1, (T, D), dtype=jnp.float32)
    expert_routing_table = jax.random.randint(k2, (T, TOPK), 0, E)
    rw = jax.random.uniform(k3, (T, TOPK), dtype=jnp.float32) + 1e-3
    router_weights = rw / jnp.sum(rw, axis=-1, keepdims=True)
    # per-expert fused gate+up projection (w13) and down projection (w2),
    # standard torch Linear layout: [out_features, in_features]
    w13 = jax.random.normal(k4, (E, 2 * F, D), dtype=jnp.float32) * 0.02
    w2 = jax.random.normal(k5, (E, D, F), dtype=jnp.float32) * 0.02
    return {
        "hidden_states": hidden_states,
        "expert_routing_table": expert_routing_table,
        "router_weights": router_weights,
        "w13": w13,
        "w2": w2,
    }


def reference(hidden_states, expert_routing_table, router_weights, w13, w2):
    # Dense-masked reference for hpu mixture_of_experts with activation='silu',
    # experts_min=0, experts_max=E-1. For each token t and each of its top_k
    # selected experts e: out[t] += router_weights[t,k] * W2_e @ (silu(g) * u)
    # where [g, u] = W13_e @ x[t].
    out = jnp.zeros_like(hidden_states)
    for e in range(E):
        mask = (expert_routing_table == e).astype(hidden_states.dtype)  # [T, K]
        tok_w = jnp.sum(router_weights * mask, axis=-1)  # [T]
        gate_up = hidden_states @ w13[e].T  # [T, 2F]
        g, u = jnp.split(gate_up, 2, axis=-1)
        h = jax.nn.silu(g) * u  # [T, F]
        o = h @ w2[e].T  # [T, D]
        out = out + tok_w[:, None] * o
    return out

if __name__ == "__main__":
    import jax
    _d = setup_inputs()
    print(jax.jit(kernel)(*tuple(_d.values())))

</pallas_src>

<mosaic_0001>
#map = affine_map<(d0, d1) -> (0)>
module attributes {stable_mosaic.version = 14 : i64} {
  func.func @_routing_sc(%arg0: i32, %arg1: i32, %arg2: memref<64xi32, #tpu.memory_space<hbm>>, %arg3: memref<64xi32, #tpu.memory_space<hbm>>, %arg4: memref<64xf32, #tpu.memory_space<hbm>>, %arg5: memref<64xf32, #tpu.memory_space<hbm>>, %arg6: memref<512xf32, #tpu.memory_space<hbm>>, %arg7: memref<64xi32, #tpu.memory_space<vmem>>, %arg8: memref<64xi32, #tpu.memory_space<vmem>>, %arg9: memref<64xf32, #tpu.memory_space<vmem>>, %arg10: memref<64xf32, #tpu.memory_space<vmem>>, %arg11: memref<512xf32, #tpu.memory_space<vmem>>) attributes {dimension_semantics = [#tpu.dimension_semantics<core_parallel>, #tpu.dimension_semantics<subcore_parallel>], iteration_bounds = array<i64: 2, 16>, scalar_prefetch = 0 : i64, scratch_operands = 5 : i64, tpu.core_type = #tpu.core_type<sc_vector_subcore>, window_params = [{transform_indices = #map}, {transform_indices = #map}, {transform_indices = #map}, {transform_indices = #map}, {transform_indices = #map}]} {
    %mul3A = arith.constant 2 : i32
    %mul3A_0 = arith.muli %arg1, %mul3A : i32
    %add3A = arith.addi %mul3A_0, %arg0 : i32
    %eq3A = arith.constant 0 : i32
    %eq3A_1 = arith.cmpi eq, %add3A, %eq3A : i32
    %convert_element_type3A = arith.extui %eq3A_1 : i1 to i32
    %cond3A = arith.constant 0 : i32
    %cond3A_2 = arith.cmpi ne, %convert_element_type3A, %cond3A : i32
    scf.if %cond3A_2 {
      "tpu.region"() ({
        %run_scoped3A = tpu.sem_alloc : memref<!tpu.dma_semaphore, #tpu.memory_space<semaphore_mem>>
        tpu.enqueue_dma source(%arg2 : memref<64xi32, #tpu.memory_space<hbm>>) target(%arg7 : memref<64xi32, #tpu.memory_space<vmem>>) target_semaphore(%run_scoped3A : memref<!tpu.dma_semaphore, #tpu.memory_space<semaphore_mem>>)
        tpu.wait_dma2 semaphore(%run_scoped3A : memref<!tpu.dma_semaphore, #tpu.memory_space<semaphore_mem>>) src(%arg2 : memref<64xi32, #tpu.memory_space<hbm>>) dst(%arg7 : memref<64xi32, #tpu.memory_space<vmem>>)
        tpu.yield
      }) : () -> ()
      "tpu.region"() ({
        %run_scoped3A = tpu.sem_alloc : memref<!tpu.dma_semaphore, #tpu.memory_space<semaphore_mem>>
        tpu.enqueue_dma source(%arg3 : memref<64xi32, #tpu.memory_space<hbm>>) target(%arg8 : memref<64xi32, #tpu.memory_space<vmem>>) target_semaphore(%run_scoped3A : memref<!tpu.dma_semaphore, #tpu.memory_space<semaphore_mem>>)
        tpu.wait_dma2 semaphore(%run_scoped3A : memref<!tpu.dma_semaphore, #tpu.memory_space<semaphore_mem>>) src(%arg3 : memref<64xi32, #tpu.memory_space<hbm>>) dst(%arg8 : memref<64xi32, #tpu.memory_space<vmem>>)
        tpu.yield
      }) : () -> ()
      "tpu.region"() ({
        %run_scoped3A = tpu.sem_alloc : memref<!tpu.dma_semaphore, #tpu.memory_space<semaphore_mem>>
        tpu.enqueue_dma source(%arg4 : memref<64xf32, #tpu.memory_space<hbm>>) target(%arg9 : memref<64xf32, #tpu.memory_space<vmem>>) target_semaphore(%run_scoped3A : memref<!tpu.dma_semaphore, #tpu.memory_space<semaphore_mem>>)
        tpu.wait_dma2 semaphore(%run_scoped3A : memref<!tpu.dma_semaphore, #tpu.memory_space<semaphore_mem>>) src(%arg4 : memref<64xf32, #tpu.memory_space<hbm>>) dst(%arg9 : memref<64xf32, #tpu.memory_space<vmem>>)
        tpu.yield
      }) : () -> ()
      "tpu.region"() ({
        %run_scoped3A = tpu.sem_alloc : memref<!tpu.dma_semaphore, #tpu.memory_space<semaphore_mem>>
        tpu.enqueue_dma source(%arg5 : memref<64xf32, #tpu.memory_space<hbm>>) target(%arg10 : memref<64xf32, #tpu.memory_space<vmem>>) target_semaphore(%run_scoped3A : memref<!tpu.dma_semaphore, #tpu.memory_space<semaphore_mem>>)
        tpu.wait_dma2 semaphore(%run_scoped3A : memref<!tpu.dma_semaphore, #tpu.memory_space<semaphore_mem>>) src(%arg5 : memref<64xf32, #tpu.memory_space<hbm>>) dst(%arg10 : memref<64xf32, #tpu.memory_space<vmem>>)
        tpu.yield
      }) : () -> ()
      %get3A = arith.constant 0 : index
      %get3A_3 = tpu.vector_load %arg7[%get3A] {strides = array<i32>} : memref<64xi32, #tpu.memory_space<vmem>>, vector<16xi32>,
      %get3A_4 = vector.shape_cast %get3A_3 : vector<16xi32> to vector<16xi32>
      %eq3A_5 = arith.constant 0 : i32
      %eq3A_6 = vector.broadcast %eq3A_5 : i32 to vector<16xi32>
      %eq3A_7 = arith.cmpi eq, %get3A_4, %eq3A_6 : vector<16xi32>
      %get3A_8 = arith.constant 0 : index
      %get3A_9 = tpu.vector_load %arg9[%get3A_8] {strides = array<i32>} : memref<64xf32, #tpu.memory_space<vmem>>, vector<16xf32>,
      %get3A_10 = vector.shape_cast %get3A_9 : vector<16xf32> to vector<16xf32>
      %jit3A = arith.constant 0.000000e+00 : f32
      %broadcast_in_dim3A = vector.broadcast %jit3A : f32 to vector<16xf32>
      %select_n3A = arith.select %eq3A_7, %get3A_10, %broadcast_in_dim3A : vector<16xi1>, vector<16xf32>
      %get3A_11 = arith.constant 0 : index
      %get3A_12 = tpu.vector_load %arg8[%get3A_11] {strides = array<i32>} : memref<64xi32, #tpu.memory_space<vmem>>, vector<16xi32>,
      %get3A_13 = vector.shape_cast %get3A_12 : vector<16xi32> to vector<16xi32>
      %eq3A_14 = arith.constant 0 : i32
      %eq3A_15 = vector.broadcast %eq3A_14 : i32 to vector<16xi32>
      %eq3A_16 = arith.cmpi eq, %get3A_13, %eq3A_15 : vector<16xi32>
      %get3A_17 = arith.constant 0 : index
      %get3A_18 = tpu.vector_load %arg10[%get3A_17] {strides = array<i32>} : memref<64xf32, #tpu.memory_space<vmem>>, vector<16xf32>,
      %get3A_19 = vector.shape_cast %get3A_18 : vector<16xf32> to vector<16xf32>
      %jit3A_20 = arith.constant 0.000000e+00 : f32
      %broadcast_in_dim3A_21 = vector.broadcast %jit3A_20 : f32 to vector<16xf32>
      %select_n3A_22 = arith.select %eq3A_16, %get3A_19, %broadcast_in_dim3A_21 : vector<16xi1>, vector<16xf32>
      %add3A_23 = arith.addf %select_n3A, %select_n3A_22 : vector<16xf32>
      %swap3A = arith.constant 0 : index
      %swap3A_24 = tpu.vector_load %arg11[%swap3A] {strides = array<i32>} : memref<512xf32, #tpu.memory_space<vmem>>, vector<16xf32>,
      %swap3A_25 = vector.shape_cast %swap3A_24 : vector<16xf32> to vector<16xf32>
      %swap3A_26 = vector.shape_cast %add3A_23 : vector<16xf32> to vector<16xf32>
      tpu.vector_store %arg11[%swap3A], %swap3A_26 {strides = array<i32>} : memref<512xf32, #tpu.memory_space<vmem>>, vector<16xf32>,
      %get3A_27 = arith.constant 16 : index
      %get3A_28 = tpu.vector_load %arg7[%get3A_27] {strides = array<i32>} : memref<64xi32, #tpu.memory_space<vmem>>, vector<16xi32>,
      %get3A_29 = vector.shape_cast %get3A_28 : vector<16xi32> to vector<16xi32>
      %eq3A_30 = arith.constant 0 : i32
      %eq3A_31 = vector.broadcast %eq3A_30 : i32 to vector<16xi32>
      %eq3A_32 = arith.cmpi eq, %get3A_29, %eq3A_31 : vector<16xi32>
      %get3A_33 = arith.constant 16 : index
      %get3A_34 = tpu.vector_load %arg9[%get3A_33] {strides = array<i32>} : memref<64xf32, #tpu.memory_space<vmem>>, vector<16xf32>,
      %get3A_35 = vector.shape_cast %get3A_34 : vector<16xf32> to vector<16xf32>
      %jit3A_36 = arith.constant 0.000000e+00 : f32
      %broadcast_in_dim3A_37 = vector.broadcast %jit3A_36 : f32 to vector<16xf32>
      %select_n3A_38 = arith.select %eq3A_32, %get3A_35, %broadcast_in_dim3A_37 : vector<16xi1>, vector<16xf32>
      %get3A_39 = arith.constant 16 : index
      %get3A_40 = tpu.vector_load %arg8[%get3A_39] {strides = array<i32>} : memref<64xi32, #tpu.memory_space<vmem>>, vector<16xi32>,
      %get3A_41 = vector.shape_cast %get3A_40 : vector<16xi32> to vector<16xi32>
      %eq3A_42 = arith.constant 0 : i32
      %eq3A_43 = vector.broadcast %eq3A_42 : i32 to vector<16xi32>
      %eq3A_44 = arith.cmpi eq, %get3A_41, %eq3A_43 : vector<16xi32>
      %get3A_45 = arith.constant 16 : index
      %get3A_46 = tpu.vector_load %arg10[%get3A_45] {strides = array<i32>} : memref<64xf32, #tpu.memory_space<vmem>>, vector<16xf32>,
      %get3A_47 = vector.shape_cast %get3A_46 : vector<16xf32> to vector<16xf32>
      %jit3A_48 = arith.constant 0.000000e+00 : f32
      %broadcast_in_dim3A_49 = vector.broadcast %jit3A_48 : f32 to vector<16xf32>
      %select_n3A_50 = arith.select %eq3A_44, %get3A_47, %broadcast_in_dim3A_49 : vector<16xi1>, vector<16xf32>
      %add3A_51 = arith.addf %select_n3A_38, %select_n3A_50 : vector<16xf32>
      %swap3A_52 = arith.constant 16 : index
      %swap3A_53 = tpu.vector_load %arg11[%swap3A_52] {strides = array<i32>} : memref<512xf32, #tpu.memory_space<vmem>>, vector<16xf32>,
      %swap3A_54 = vector.shape_cast %swap3A_53 : vector<16xf32> to vector<16xf32>
      %swap3A_55 = vector.shape_cast %add3A_51 : vector<16xf32> to vector<16xf32>
      tpu.vector_store %arg11[%swap3A_52], %swap3A_55 {strides = array<i32>} : memref<512xf32, #tpu.memory_space<vmem>>, vector<16xf32>,
      %get3A_56 = arith.constant 32 : index
      %get3A_57 = tpu.vector_load %arg7[%get3A_56] {strides = array<i32>} : memref<64xi32, #tpu.memory_space<vmem>>, vector<16xi32>,
      %get3A_58 = vector.shape_cast %get3A_57 : vector<16xi32> to vector<16xi32>
      %eq3A_59 = arith.constant 0 : i32
      %eq3A_60 = vector.broadcast %eq3A_59 : i32 to vector<16xi32>
      %eq3A_61 = arith.cmpi eq, %get3A_58, %eq3A_60 : vector<16xi32>
      %get3A_62 = arith.constant 32 : index
      %get3A_63 = tpu.vector_load %arg9[%get3A_62] {strides = array<i32>} : memref<64xf32, #tpu.memory_space<vmem>>, vector<16xf32>,
      %get3A_64 = vector.shape_cast %get3A_63 : vector<16xf32> to vector<16xf32>
      %jit3A_65 = arith.constant 0.000000e+00 : f32
      %broadcast_in_dim3A_66 = vector.broadcast %jit3A_65 : f32 to vector<16xf32>
      %select_n3A_67 = arith.select %eq3A_61, %get3A_64, %broadcast_in_dim3A_66 : vector<16xi1>, vector<16xf32>
      %get3A_68 = arith.constant 32 : index
      %get3A_69 = tpu.vector_load %arg8[%get3A_68] {strides = array<i32>} : memref<64xi32, #tpu.memory_space<vmem>>, vector<16xi32>,
      %get3A_70 = vector.shape_cast %get3A_69 : vector<16xi32> to vector<16xi32>
      %eq3A_71 = arith.constant 0 : i32
      %eq3A_72 = vector.broadcast %eq3A_71 : i32 to vector<16xi32>
      %eq3A_73 = arith.cmpi eq, %get3A_70, %eq3A_72 : vector<16xi32>
      %get3A_74 = arith.constant 32 : index
      %get3A_75 = tpu.vector_load %arg10[%get3A_74] {strides = array<i32>} : memref<64xf32, #tpu.memory_space<vmem>>, vector<16xf32>,
      %get3A_76 = vector.shape_cast %get3A_75 : vector<16xf32> to vector<16xf32>
      %jit3A_77 = arith.constant 0.000000e+00 : f32
      %broadcast_in_dim3A_78 = vector.broadcast %jit3A_77 : f32 to vector<16xf32>
      %select_n3A_79 = arith.select %eq3A_73, %get3A_76, %broadcast_in_dim3A_78 : vector<16xi1>, vector<16xf32>
      %add3A_80 = arith.addf %select_n3A_67, %select_n3A_79 : vector<16xf32>
      %swap3A_81 = arith.constant 32 : index
      %swap3A_82 = tpu.vector_load %arg11[%swap3A_81] {strides = array<i32>} : memref<512xf32, #tpu.memory_space<vmem>>, vector<16xf32>,
      %swap3A_83 = vector.shape_cast %swap3A_82 : vector<16xf32> to vector<16xf32>
      %swap3A_84 = vector.shape_cast %add3A_80 : vector<16xf32> to vector<16xf32>
      tpu.vector_store %arg11[%swap3A_81], %swap3A_84 {strides = array<i32>} : memref<512xf32, #tpu.memory_space<vmem>>, vector<16xf32>,
      %get3A_85 = arith.constant 48 : index
      %get3A_86 = tpu.vector_load %arg7[%get3A_85] {strides = array<i32>} : memref<64xi32, #tpu.memory_space<vmem>>, vector<16xi32>,
      %get3A_87 = vector.shape_cast %get3A_86 : vector<16xi32> to vector<16xi32>
      %eq3A_88 = arith.constant 0 : i32
      %eq3A_89 = vector.broadcast %eq3A_88 : i32 to vector<16xi32>
      %eq3A_90 = arith.cmpi eq, %get3A_87, %eq3A_89 : vector<16xi32>
      %get3A_91 = arith.constant 48 : index
      %get3A_92 = tpu.vector_load %arg9[%get3A_91] {strides = array<i32>} : memref<64xf32, #tpu.memory_space<vmem>>, vector<16xf32>,
      %get3A_93 = vector.shape_cast %get3A_92 : vector<16xf32> to vector<16xf32>
      %jit3A_94 = arith.constant 0.000000e+00 : f32
      %broadcast_in_dim3A_95 = vector.broadcast %jit3A_94 : f32 to vector<16xf32>
      %select_n3A_96 = arith.select %eq3A_90, %get3A_93, %broadcast_in_dim3A_95 : vector<16xi1>, vector<16xf32>
      %get3A_97 = arith.constant 48 : index
      %get3A_98 = tpu.vector_load %arg8[%get3A_97] {strides = array<i32>} : memref<64xi32, #tpu.memory_space<vmem>>, vector<16xi32>,
      %get3A_99 = vector.shape_cast %get3A_98 : vector<16xi32> to vector<16xi32>
      %eq3A_100 = arith.constant 0 : i32
      %eq3A_101 = vector.broadcast %eq3A_100 : i32 to vector<16xi32>
      %eq3A_102 = arith.cmpi eq, %get3A_99, %eq3A_101 : vector<16xi32>
      %get3A_103 = arith.constant 48 : index
      %get3A_104 = tpu.vector_load %arg10[%get3A_103] {strides = array<i32>} : memref<64xf32, #tpu.memory_space<vmem>>, vector<16xf32>,
      %get3A_105 = vector.shape_cast %get3A_104 : vector<16xf32> to vector<16xf32>
      %jit3A_106 = arith.constant 0.000000e+00 : f32
      %broadcast_in_dim3A_107 = vector.broadcast %jit3A_106 : f32 to vector<16xf32>
      %select_n3A_108 = arith.select %eq3A_102, %get3A_105, %broadcast_in_dim3A_107 : vector<16xi1>, vector<16xf32>
      %add3A_109 = arith.addf %select_n3A_96, %select_n3A_108 : vector<16xf32>
      %swap3A_110 = arith.constant 48 : index
      %swap3A_111 = tpu.vector_load %arg11[%swap3A_110] {strides = array<i32>} : memref<512xf32, #tpu.memory_space<vmem>>, vector<16xf32>,
      %swap3A_112 = vector.shape_cast %swap3A_111 : vector<16xf32> to vector<16xf32>
      %swap3A_113 = vector.shape_cast %add3A_109 : vector<16xf32> to vector<16xf32>
      tpu.vector_store %arg11[%swap3A_110], %swap3A_113 {strides = array<i32>} : memref<512xf32, #tpu.memory_space<vmem>>, vector<16xf32>,
      %get3A_114 = arith.constant 0 : index
      %get3A_115 = tpu.vector_load %arg7[%get3A_114] {strides = array<i32>} : memref<64xi32, #tpu.memory_space<vmem>>, vector<16xi32>,
      %get3A_116 = vector.shape_cast %get3A_115 : vector<16xi32> to vector<16xi32>
      %eq3A_117 = arith.constant 1 : i32
      %eq3A_118 = vector.broadcast %eq3A_117 : i32 to vector<16xi32>
      %eq3A_119 = arith.cmpi eq, %get3A_116, %eq3A_118 : vector<16xi32>
      %get3A_120 = arith.constant 0 : index
      %get3A_121 = tpu.vector_load %arg9[%get3A_120] {strides = array<i32>} : memref<64xf32, #tpu.memory_space<vmem>>, vector<16xf32>,
      %get3A_122 = vector.shape_cast %get3A_121 : vector<16xf32> to vector<16xf32>
      %jit3A_123 = arith.constant 0.000000e+00 : f32
      %broadcast_in_dim3A_124 = vector.broadcast %jit3A_123 : f32 to vector<16xf32>
      %select_n3A_125 = arith.select %eq3A_119, %get3A_122, %broadcast_in_dim3A_124 : vector<16xi1>, vector<16xf32>
      %get3A_126 = arith.constant 0 : index
      %get3A_127 = tpu.vector_load %arg8[%get3A_126] {strides = array<i32>} : memref<64xi32, #tpu.memory_space<vmem>>, vector<16xi32>,
      %get3A_128 = vector.shape_cast %get3A_127 : vector<16xi32> to vector<16xi32>
      %eq3A_129 = arith.constant 1 : i32
      %eq3A_130 = vector.broadcast %eq3A_129 : i32 to vector<16xi32>
      %eq3A_131 = arith.cmpi eq, %get3A_128, %eq3A_130 : vector<16xi32>
      %get3A_132 = arith.constant 0 : index
      %get3A_133 = tpu.vector_load %arg10[%get3A_132] {strides = array<i32>} : memref<64xf32, #tpu.memory_space<vmem>>, vector<16xf32>,
      %get3A_134 = vector.shape_cast %get3A_133 : vector<16xf32> to vector<16xf32>
      %jit3A_135 = arith.constant 0.000000e+00 : f32
      %broadcast_in_dim3A_136 = vector.broadcast %jit3A_135 : f32 to vector<16xf32>
      %select_n3A_137 = arith.select %eq3A_131, %get3A_134, %broadcast_in_dim3A_136 : vector<16xi1>, vector<16xf32>
      %add3A_138 = arith.addf %select_n3A_125, %select_n3A_137 : vector<16xf32>
      %swap3A_139 = arith.constant 64 : index
      %swap3A_140 = tpu.vector_load %arg11[%swap3A_139] {strides = array<i32>} : memref<512xf32, #tpu.memory_space<vmem>>, vector<16xf32>,
      %swap3A_141 = vector.shape_cast %swap3A_140 : vector<16xf32> to vector<16xf32>
      %swap3A_142 = vector.shape_cast %add3A_138 : vector<16xf32> to vector<16xf32>
      tpu.vector_store %arg11[%swap3A_139], %swap3A_142 {strides = array<i32>} : memref<512xf32, #tpu.memory_space<vmem>>, vector<16xf32>,
      %get3A_143 = arith.constant 16 : index
      %get3A_144 = tpu.vector_load %arg7[%get3A_143] {strides = array<i32>} : memref<64xi32, #tpu.memory_space<vmem>>, vector<16xi32>,
      %get3A_145 = vector.shape_cast %get3A_144 : vector<16xi32> to vector<16xi32>
      %eq3A_146 = arith.constant 1 : i32
      %eq3A_147 = vector.broadcast %eq3A_146 : i32 to vector<16xi32>
      %eq3A_148 = arith.cmpi eq, %get3A_145, %eq3A_147 : vector<16xi32>
      %get3A_149 = arith.constant 16 : index
      %get3A_150 = tpu.vector_load %arg9[%get3A_149] {strides = array<i32>} : memref<64xf32, #tpu.memory_space<vmem>>, vector<16xf32>,
      %get3A_151 = vector.shape_cast %get3A_150 : vector<16xf32> to vector<16xf32>
      %jit3A_152 = arith.constant 0.000000e+00 : f32
      %broadcast_in_dim3A_153 = vector.broadcast %jit3A_152 : f32 to vector<16xf32>
      %select_n3A_154 = arith.select %eq3A_148, %get3A_151, %broadcast_in_dim3A_153 : vector<16xi1>, vector<16xf32>
      %get3A_155 = arith.constant 16 : index
      %get3A_156 = tpu.vector_load %arg8[%get3A_155] {strides = array<i32>} : memref<64xi32, #tpu.memory_space<vmem>>, vector<16xi32>,
      %get3A_157 = vector.shape_cast %get3A_156 : vector<16xi32> to vector<16xi32>
      %eq3A_158 = arith.constant 1 : i32
      %eq3A_159 = vector.broadcast %eq3A_158 : i32 to vector<16xi32>
      %eq3A_160 = arith.cmpi eq, %get3A_157, %eq3A_159 : vector<16xi32>
      %get3A_161 = arith.constant 16 : index
      %get3A_162 = tpu.vector_load %arg10[%get3A_161] {strides = array<i32>} : memref<64xf32, #tpu.memory_space<vmem>>, vector<16xf32>,
      %get3A_163 = vector.shape_cast %get3A_162 : vector<16xf32> to vector<16xf32>
      %jit3A_164 = arith.constant 0.000000e+00 : f32
      %broadcast_in_dim3A_165 = vector.broadcast %jit3A_164 : f32 to vector<16xf32>
      %select_n3A_166 = arith.select %eq3A_160, %get3A_163, %broadcast_in_dim3A_165 : vector<16xi1>, vector<16xf32>
      %add3A_167 = arith.addf %select_n3A_154, %select_n3A_166 : vector<16xf32>
      %swap3A_168 = arith.constant 80 : index
      %swap3A_169 = tpu.vector_load %arg11[%swap3A_168] {strides = array<i32>} : memref<512xf32, #tpu.memory_space<vmem>>, vector<16xf32>,
      %swap3A_170 = vector.shape_cast %swap3A_169 : vector<16xf32> to vector<16xf32>
      %swap3A_171 = vector.shape_cast %add3A_167 : vector<16xf32> to vector<16xf32>
      tpu.vector_store %arg11[%swap3A_168], %swap3A_171 {strides = array<i32>} : memref<512xf32, #tpu.memory_space<vmem>>, vector<16xf32>,
      %get3A_172 = arith.constant 32 : index
      %get3A_173 = tpu.vector_load %arg7[%get3A_172] {strides = array<i32>} : memref<64xi32, #tpu.memory_space<vmem>>, vector<16xi32>,
      %get3A_174 = vector.shape_cast %get3A_173 : vector<16xi32> to vector<16xi32>
      %eq3A_175 = arith.constant 1 : i32
      %eq3A_176 = vector.broadcast %eq3A_175 : i32 to vector<16xi32>
      %eq3A_177 = arith.cmpi eq, %get3A_174, %eq3A_176 : vector<16xi32>
      %get3A_178 = arith.constant 32 : index
      %get3A_179 = tpu.vector_load %arg9[%get3A_178] {strides = array<i32>} : memref<64xf32, #tpu.memory_space<vmem>>, vector<16xf32>,
      %get3A_180 = vector.shape_cast %get3A_179 : vector<16xf32> to vector<16xf32>
      %jit3A_181 = arith.constant 0.000000e+00 : f32
      %broadcast_in_dim3A_182 = vector.broadcast %jit3A_181 : f32 to vector<16xf32>
      %select_n3A_183 = arith.select %eq3A_177, %get3A_180, %broadcast_in_dim3A_182 : vector<16xi1>, vector<16xf32>
      %get3A_184 = arith.constant 32 : index
      %get3A_185 = tpu.vector_load %arg8[%get3A_184] {strides = array<i32>} : memref<64xi32, #tpu.memory_space<vmem>>, vector<16xi32>,
      %get3A_186 = vector.shape_cast %get3A_185 : vector<16xi32> to vector<16xi32>
      %eq3A_187 = arith.constant 1 : i32
      %eq3A_188 = vector.broadcast %eq3A_187 : i32 to vector<16xi32>
      %eq3A_189 = arith.cmpi eq, %get3A_186, %eq3A_188 : vector<16xi32>
      %get3A_190 = arith.constant 32 : index
      %get3A_191 = tpu.vector_load %arg10[%get3A_190] {strides = array<i32>} : memref<64xf32, #tpu.memory_space<vmem>>, vector<16xf32>,
      %get3A_192 = vector.shape_cast %get3A_191 : vector<16xf32> to vector<16xf32>
      %jit3A_193 = arith.constant 0.000000e+00 : f32
      %broadcast_in_dim3A_194 = vector.broadcast %jit3A_193 : f32 to vector<16xf32>
      %select_n3A_195 = arith.select %eq3A_189, %get3A_192, %broadcast_in_dim3A_194 : vector<16xi1>, vector<16xf32>
      %add3A_196 = arith.addf %select_n3A_183, %select_n3A_195 : vector<16xf32>
      %swap3A_197 = arith.constant 96 : index
      %swap3A_198 = tpu.vector_load %arg11[%swap3A_197] {strides = array<i32>} : memref<512xf32, #tpu.memory_space<vmem>>, vector<16xf32>,
      %swap3A_199 = vector.shape_cast %swap3A_198 : vector<16xf32> to vector<16xf32>
      %swap3A_200 = vector.shape_cast %add3A_196 : vector<16xf32> to vector<16xf32>
      tpu.vector_store %arg11[%swap3A_197], %swap3A_200 {strides = array<i32>} : memref<512xf32, #tpu.memory_space<vmem>>, vector<16xf32>,
      %get3A_201 = arith.constant 48 : index
      %get3A_202 = tpu.vector_load %arg7[%get3A_201] {strides = array<i32>} : memref<64xi32, #tpu.memory_space<vmem>>, vector<16xi32>,
      %get3A_203 = vector.shape_cast %get3A_202 : vector<16xi32> to vector<16xi32>
      %eq3A_204 = arith.constant 1 : i32
      %eq3A_205 = vector.broadcast %eq3A_204 : i32 to vector<16xi32>
      %eq3A_206 = arith.cmpi eq, %get3A_203, %eq3A_205 : vector<16xi32>
      %get3A_207 = arith.constant 48 : index
      %get3A_208 = tpu.vector_load %arg9[%get3A_207] {strides = array<i32>} : memref<64xf32, #tpu.memory_space<vmem>>, vector<16xf32>,
      %get3A_209 = vector.shape_cast %get3A_208 : vector<16xf32> to vector<16xf32>
      %jit3A_210 = arith.constant 0.000000e+00 : f32
      %broadcast_in_dim3A_211 = vector.broadcast %jit3A_210 : f32 to vector<16xf32>
      %select_n3A_212 = arith.select %eq3A_206, %get3A_209, %broadcast_in_dim3A_211 : vector<16xi1>, vector<16xf32>
      %get3A_213 = arith.constant 48 : index
      %get3A_214 = tpu.vector_load %arg8[%get3A_213] {strides = array<i32>} : memref<64xi32, #tpu.memory_space<vmem>>, vector<16xi32>,
      %get3A_215 = vector.shape_cast %get3A_214 : vector<16xi32> to vector<16xi32>
      %eq3A_216 = arith.constant 1 : i32
      %eq3A_217 = vector.broadcast %eq3A_216 : i32 to vector<16xi32>
      %eq3A_218 = arith.cmpi eq, %get3A_215, %eq3A_217 : vector<16xi32>
      %get3A_219 = arith.constant 48 : index
      %get3A_220 = tpu.vector_load %arg10[%get3A_219] {strides = array<i32>} : memref<64xf32, #tpu.memory_space<vmem>>, vector<16xf32>,
      %get3A_221 = vector.shape_cast %get3A_220 : vector<16xf32> to vector<16xf32>
      %jit3A_222 = arith.constant 0.000000e+00 : f32
      %broadcast_in_dim3A_223 = vector.broadcast %jit3A_222 : f32 to vector<16xf32>
      %select_n3A_224 = arith.select %eq3A_218, %get3A_221, %broadcast_in_dim3A_223 : vector<16xi1>, vector<16xf32>
      %add3A_225 = arith.addf %select_n3A_212, %select_n3A_224 : vector<16xf32>
      %swap3A_226 = arith.constant 112 : index
      %swap3A_227 = tpu.vector_load %arg11[%swap3A_226] {strides = array<i32>} : memref<512xf32, #tpu.memory_space<vmem>>, vector<16xf32>,
      %swap3A_228 = vector.shape_cast %swap3A_227 : vector<16xf32> to vector<16xf32>
      %swap3A_229 = vector.shape_cast %add3A_225 : vector<16xf32> to vector<16xf32>
      tpu.vector_store %arg11[%swap3A_226], %swap3A_229 {strides = array<i32>} : memref<512xf32, #tpu.memory_space<vmem>>, vector<16xf32>,
      %get3A_230 = arith.constant 0 : index
      %get3A_231 = tpu.vector_load %arg7[%get3A_230] {strides = array<i32>} : memref<64xi32, #tpu.memory_space<vmem>>, vector<16xi32>,
      %get3A_232 = vector.shape_cast %get3A_231 : vector<16xi32> to vector<16xi32>
      %eq3A_233 = arith.constant 2 : i32
      %eq3A_234 = vector.broadcast %eq3A_233 : i32 to vector<16xi32>
      %eq3A_235 = arith.cmpi eq, %get3A_232, %eq3A_234 : vector<16xi32>
      %get3A_236 = arith.constant 0 : index
      %get3A_237 = tpu.vector_load %arg9[%get3A_236] {strides = array<i32>} : memref<64xf32, #tpu.memory_space<vmem>>, vector<16xf32>,
      %get3A_238 = vector.shape_cast %get3A_237 : vector<16xf32> to vector<16xf32>
      %jit3A_239 = arith.constant 0.000000e+00 : f32
      %broadcast_in_dim3A_240 = vector.broadcast %jit3A_239 : f32 to vector<16xf32>
      %select_n3A_241 = arith.select %eq3A_235, %get3A_238, %broadcast_in_dim3A_240 : vector<16xi1>, vector<16xf32>
      %get3A_242 = arith.constant 0 : index
      %get3A_243 = tpu.vector_load %arg8[%get3A_242] {strides = array<i32>} : memref<64xi32, #tpu.memory_space<vmem>>, vector<16xi32>,
      %get3A_244 = vector.shape_cast %get3A_243 : vector<16xi32> to vector<16xi32>
      %eq3A_245 = arith.constant 2 : i32
      %eq3A_246 = vector.broadcast %eq3A_245 : i32 to vector<16xi32>
      %eq3A_247 = arith.cmpi eq, %get3A_244, %eq3A_246 : vector<16xi32>
      %get3A_248 = arith.constant 0 : index
      %get3A_249 = tpu.vector_load %arg10[%get3A_248] {strides = array<i32>} : memref<64xf32, #tpu.memory_space<vmem>>, vector<16xf32>,
      %get3A_250 = vector.shape_cast %get3A_249 : vector<16xf32> to vector<16xf32>
      %jit3A_251 = arith.constant 0.000000e+00 : f32
      %broadcast_in_dim3A_252 = vector.broadcast %jit3A_251 : f32 to vector<16xf32>
      %select_n3A_253 = arith.select %eq3A_247, %get3A_250, %broadcast_in_dim3A_252 : vector<16xi1>, vector<16xf32>
      %add3A_254 = arith.addf %select_n3A_241, %select_n3A_253 : vector<16xf32>
      %swap3A_255 = arith.constant 128 : index
      %swap3A_256 = tpu.vector_load %arg11[%swap3A_255] {strides = array<i32>} : memref<512xf32, #tpu.memory_space<vmem>>, vector<16xf32>,
      %swap3A_257 = vector.shape_cast %swap3A_256 : vector<16xf32> to vector<16xf32>
      %swap3A_258 = vector.shape_cast %add3A_254 : vector<16xf32> to vector<16xf32>
      tpu.vector_store %arg11[%swap3A_255], %swap3A_258 {strides = array<i32>} : memref<512xf32, #tpu.memory_space<vmem>>, vector<16xf32>,
      %get3A_259 = arith.constant 16 : index
      %get3A_260 = tpu.vector_load %arg7[%get3A_259] {strides = array<i32>} : memref<64xi32, #tpu.memory_space<vmem>>, vector<16xi32>,
      %get3A_261 = vector.shape_cast %get3A_260 : vector<16xi32> to vector<16xi32>
      %eq3A_262 = arith.constant 2 : i32
      %eq3A_263 = vector.broadcast %eq3A_262 : i32 to vector<16xi32>
      %eq3A_264 = arith.cmpi eq, %get3A_261, %eq3A_263 : vector<16xi32>
      %get3A_265 = arith.constant 16 : index
      %get3A_266 = tpu.vector_load %arg9[%get3A_265] {strides = array<i32>} : memref<64xf32, #tpu.memory_space<vmem>>, vector<16xf32>,
      %get3A_267 = vector.shape_cast %get3A_266 : vector<16xf32> to vector<16xf32>
      %jit3A_268 = arith.constant 0.000000e+00 : f32
      %broadcast_in_dim3A_269 = vector.broadcast %jit3A_268 : f32 to vector<16xf32>
      %select_n3A_270 = arith.select %eq3A_264, %get3A_267, %broadcast_in_dim3A_269 : vector<16xi1>, vector<16xf32>
      %get3A_271 = arith.constant 16 : index
      %get3A_272 = tpu.vector_load %arg8[%get3A_271] {strides = array<i32>} : memref<64xi32, #tpu.memory_space<vmem>>, vector<16xi32>,
      %get3A_273 = vector.shape_cast %get3A_272 : vector<16xi32> to vector<16xi32>
      %eq3A_274 = arith.constant 2 : i32
      %eq3A_275 = vector.broadcast %eq3A_274 : i32 to vector<16xi32>
      %eq3A_276 = arith.cmpi eq, %get3A_273, %eq3A_275 : vector<16xi32>
      %get3A_277 = arith.constant 16 : index
      %get3A_278 = tpu.vector_load %arg10[%get3A_277] {strides = array<i32>} : memref<64xf32, #tpu.memory_space<vmem>>, vector<16xf32>,
      %get3A_279 = vector.shape_cast %get3A_278 : vector<16xf32> to vector<16xf32>
      %jit3A_280 = arith.constant 0.000000e+00 : f32
      %broadcast_in_dim3A_281 = vector.broadcast %jit3A_280 : f32 to vector<16xf32>
      %select_n3A_282 = arith.select %eq3A_276, %get3A_279, %broadcast_in_dim3A_281 : vector<16xi1>, vector<16xf32>
      %add3A_283 = arith.addf %select_n3A_270, %select_n3A_282 : vector<16xf32>
      %swap3A_284 = arith.constant 144 : index
      %swap3A_285 = tpu.vector_load %arg11[%swap3A_284] {strides = array<i32>} : memref<512xf32, #tpu.memory_space<vmem>>, vector<16xf32>,
      %swap3A_286 = vector.shape_cast %swap3A_285 : vector<16xf32> to vector<16xf32>
      %swap3A_287 = vector.shape_cast %add3A_283 : vector<16xf32> to vector<16xf32>
      tpu.vector_store %arg11[%swap3A_284], %swap3A_287 {strides = array<i32>} : memref<512xf32, #tpu.memory_space<vmem>>, vector<16xf32>,
      %get3A_288 = arith.constant 32 : index
      %get3A_289 = tpu.vector_load %arg7[%get3A_288] {strides = array<i32>} : memref<64xi32, #tpu.memory_space<vmem>>, vector<16xi32>,
      %get3A_290 = vector.shape_cast %get3A_289 : vector<16xi32> to vector<16xi32>
      %eq3A_291 = arith.constant 2 : i32
      %eq3A_292 = vector.broadcast %eq3A_291 : i32 to vector<16xi32>
      %eq3A_293 = arith.cmpi eq, %get3A_290, %eq3A_292 : vector<16xi32>
      %get3A_294 = arith.constant 32 : index
      %get3A_295 = tpu.vector_load %arg9[%get3A_294] {strides = array<i32>} : memref<64xf32, #tpu.memory_space<vmem>>, vector<16xf32>,
      %get3A_296 = vector.shape_cast %get3A_295 : vector<16xf32> to vector<16xf32>
      %jit3A_297 = arith.constant 0.000000e+00 : f32
      %broadcast_in_dim3A_298 = vector.broadcast %jit3A_297 : f32 to vector<16xf32>
      %select_n3A_299 = arith.select %eq3A_293, %get3A_296, %broadcast_in_dim3A_298 : vector<16xi1>, vector<16xf32>
      %get3A_300 = arith.constant 32 : index
      %get3A_301 = tpu.vector_load %arg8[%get3A_300] {strides = array<i32>} : memref<64xi32, #tpu.memory_space<vmem>>, vector<16xi32>,
      %get3A_302 = vector.shape_cast %get3A_301 : vector<16xi32> to vector<16xi32>
      %eq3A_303 = arith.constant 2 : i32
      %eq3A_304 = vector.broadcast %eq3A_303 : i32 to vector<16xi32>
      %eq3A_305 = arith.cmpi eq, %get3A_302, %eq3A_304 : vector<16xi32>
      %get3A_306 = arith.constant 32 : index
      %get3A_307 = tpu.vector_load %arg10[%get3A_306] {strides = array<i32>} : memref<64xf32, #tpu.memory_space<vmem>>, vector<16xf32>,
      %get3A_308 = vector.shape_cast %get3A_307 : vector<16xf32> to vector<16xf32>
      %jit3A_309 = arith.constant 0.000000e+00 : f32
      %broadcast_in_dim3A_310 = vector.broadcast %jit3A_309 : f32 to vector<16xf32>
      %select_n3A_311 = arith.select %eq3A_305, %get3A_308, %broadcast_in_dim3A_310 : vector<16xi1>, vector<16xf32>
      %add3A_312 = arith.addf %select_n3A_299, %select_n3A_311 : vector<16xf32>
      %swap3A_313 = arith.constant 160 : index
      %swap3A_314 = tpu.vector_load %arg11[%swap3A_313] {strides = array<i32>} : memref<512xf32, #tpu.memory_space<vmem>>, vector<16xf32>,
      %swap3A_315 = vector.shape_cast %swap3A_314 : vector<16xf32> to vector<16xf32>
      %swap3A_316 = vector.shape_cast %add3A_312 : vector<16xf32> to vector<16xf32>
      tpu.vector_store %arg11[%swap3A_313], %swap3A_316 {strides = array<i32>} : memref<512xf32, #tpu.memory_space<vmem>>, vector<16xf32>,
      %get3A_317 = arith.constant 48 : index
      %get3A_318 = tpu.vector_load %arg7[%get3A_317] {strides = array<i32>} : memref<64xi32, #tpu.memory_space<vmem>>, vector<16xi32>,
      %get3A_319 = vector.shape_cast %get3A_318 : vector<16xi32> to vector<16xi32>
      %eq3A_320 = arith.constant 2 : i32
      %eq3A_321 = vector.broadcast %eq3A_320 : i32 to vector<16xi32>
      %eq3A_322 = arith.cmpi eq, %get3A_319, %eq3A_321 : vector<16xi32>
      %get3A_323 = arith.constant 48 : index
      %get3A_324 = tpu.vector_load %arg9[%get3A_323] {strides = array<i32>} : memref<64xf32, #tpu.memory_space<vmem>>, vector<16xf32>,
      %get3A_325 = vector.shape_cast %get3A_324 : vector<16xf32> to vector<16xf32>
      %jit3A_326 = arith.constant 0.000000e+00 : f32
      %broadcast_in_dim3A_327 = vector.broadcast %jit3A_326 : f32 to vector<16xf32>
      %select_n3A_328 = arith.select %eq3A_322, %get3A_325, %broadcast_in_dim3A_327 : vector<16xi1>, vector<16xf32>
      %get3A_329 = arith.constant 48 : index
      %get3A_330 = tpu.vector_load %arg8[%get3A_329] {strides = array<i32>} : memref<64xi32, #tpu.memory_space<vmem>>, vector<16xi32>,
      %get3A_331 = vector.shape_cast %get3A_330 : vector<16xi32> to vector<16xi32>
      %eq3A_332 = arith.constant 2 : i32
      %eq3A_333 = vector.broadcast %eq3A_332 : i32 to vector<16xi32>
      %eq3A_334 = arith.cmpi eq, %get3A_331, %eq3A_333 : vector<16xi32>
      %get3A_335 = arith.constant 48 : index
      %get3A_336 = tpu.vector_load %arg10[%get3A_335] {strides = array<i32>} : memref<64xf32, #tpu.memory_space<vmem>>, vector<16xf32>,
      %get3A_337 = vector.shape_cast %get3A_336 : vector<16xf32> to vector<16xf32>
      %jit3A_338 = arith.constant 0.000000e+00 : f32
      %broadcast_in_dim3A_339 = vector.broadcast %jit3A_338 : f32 to vector<16xf32>
      %select_n3A_340 = arith.select %eq3A_334, %get3A_337, %broadcast_in_dim3A_339 : vector<16xi1>, vector<16xf32>
      %add3A_341 = arith.addf %select_n3A_328, %select_n3A_340 : vector<16xf32>
      %swap3A_342 = arith.constant 176 : index
      %swap3A_343 = tpu.vector_load %arg11[%swap3A_342] {strides = array<i32>} : memref<512xf32, #tpu.memory_space<vmem>>, vector<16xf32>,
      %swap3A_344 = vector.shape_cast %swap3A_343 : vector<16xf32> to vector<16xf32>
      %swap3A_345 = vector.shape_cast %add3A_341 : vector<16xf32> to vector<16xf32>
      tpu.vector_store %arg11[%swap3A_342], %swap3A_345 {strides = array<i32>} : memref<512xf32, #tpu.memory_space<vmem>>, vector<16xf32>,
      %get3A_346 = arith.constant 0 : index
      %get3A_347 = tpu.vector_load %arg7[%get3A_346] {strides = array<i32>} : memref<64xi32, #tpu.memory_space<vmem>>, vector<16xi32>,
      %get3A_348 = vector.shape_cast %get3A_347 : vector<16xi32> to vector<16xi32>
      %eq3A_349 = arith.constant 3 : i32
      %eq3A_350 = vector.broadcast %eq3A_349 : i32 to vector<16xi32>
      %eq3A_351 = arith.cmpi eq, %get3A_348, %eq3A_350 : vector<16xi32>
      %get3A_352 = arith.constant 0 : index
      %get3A_353 = tpu.vector_load %arg9[%get3A_352] {strides = array<i32>} : memref<64xf32, #tpu.memory_space<vmem>>, vector<16xf32>,
      %get3A_354 = vector.shape_cast %get3A_353 : vector<16xf32> to vector<16xf32>
      %jit3A_355 = arith.constant 0.000000e+00 : f32
      %broadcast_in_dim3A_356 = vector.broadcast %jit3A_355 : f32 to vector<16xf32>
      %select_n3A_357 = arith.select %eq3A_351, %get3A_354, %broadcast_in_dim3A_356 : vector<16xi1>, vector<16xf32>
      %get3A_358 = arith.constant 0 : index
      %get3A_359 = tpu.vector_load %arg8[%get3A_358] {strides = array<i32>} : memref<64xi32, #tpu.memory_space<vmem>>, vector<16xi32>,
      %get3A_360 = vector.shape_cast %get3A_359 : vector<16xi32> to vector<16xi32>
      %eq3A_361 = arith.constant 3 : i32
      %eq3A_362 = vector.broadcast %eq3A_361 : i32 to vector<16xi32>
      %eq3A_363 = arith.cmpi eq, %get3A_360, %eq3A_362 : vector<16xi32>
      %get3A_364 = arith.constant 0 : index
      %get3A_365 = tpu.vector_load %arg10[%get3A_364] {strides = array<i32>} : memref<64xf32, #tpu.memory_space<vmem>>, vector<16xf32>,
      %get3A_366 = vector.shape_cast %get3A_365 : vector<16xf32> to vector<16xf32>
      %jit3A_367 = arith.constant 0.000000e+00 : f32
      %broadcast_in_dim3A_368 = vector.broadcast %jit3A_367 : f32 to vector<16xf32>
      %select_n3A_369 = arith.select %eq3A_363, %get3A_366, %broadcast_in_dim3A_368 : vector<16xi1>, vector<16xf32>
      %add3A_370 = arith.addf %select_n3A_357, %select_n3A_369 : vector<16xf32>
      %swap3A_371 = arith.constant 192 : index
      %swap3A_372 = tpu.vector_load %arg11[%swap3A_371] {strides = array<i32>} : memref<512xf32, #tpu.memory_space<vmem>>, vector<16xf32>,
      %swap3A_373 = vector.shape_cast %swap3A_372 : vector<16xf32> to vector<16xf32>
      %swap3A_374 = vector.shape_cast %add3A_370 : vector<16xf32> to vector<16xf32>
      tpu.vector_store %arg11[%swap3A_371], %swap3A_374 {strides = array<i32>} : memref<512xf32, #tpu.memory_space<vmem>>, vector<16xf32>,
      %get3A_375 = arith.constant 16 : index
      %get3A_376 = tpu.vector_load %arg7[%get3A_375] {strides = array<i32>} : memref<64xi32, #tpu.memory_space<vmem>>, vector<16xi32>,
      %get3A_377 = vector.shape_cast %get3A_376 : vector<16xi32> to vector<16xi32>
      %eq3A_378 = arith.constant 3 : i32
      %eq3A_379 = vector.broadcast %eq3A_378 : i32 to vector<16xi32>
      %eq3A_380 = arith.cmpi eq, %get3A_377, %eq3A_379 : vector<16xi32>
      %get3A_381 = arith.constant 16 : index
      %get3A_382 = tpu.vector_load %arg9[%get3A_381] {strides = array<i32>} : memref<64xf32, #tpu.memory_space<vmem>>, vector<16xf32>,
      %get3A_383 = vector.shape_cast %get3A_382 : vector<16xf32> to vector<16xf32>
      %jit3A_384 = arith.constant 0.000000e+00 : f32
      %broadcast_in_dim3A_385 = vector.broadcast %jit3A_384 : f32 to vector<16xf32>
      %select_n3A_386 = arith.select %eq3A_380, %get3A_383, %broadcast_in_dim3A_385 : vector<16xi1>, vector<16xf32>
      %get3A_387 = arith.constant 16 : index
      %get3A_388 = tpu.vector_load %arg8[%get3A_387] {strides = array<i32>} : memref<64xi32, #tpu.memory_space<vmem>>, vector<16xi32>,
      %get3A_389 = vector.shape_cast %get3A_388 : vector<16xi32> to vector<16xi32>
      %eq3A_390 = arith.constant 3 : i32
      %eq3A_391 = vector.broadcast %eq3A_390 : i32 to vector<16xi32>
      %eq3A_392 = arith.cmpi eq, %get3A_389, %eq3A_391 : vector<16xi32>
      %get3A_393 = arith.constant 16 : index
      %get3A_394 = tpu.vector_load %arg10[%get3A_393] {strides = array<i32>} : memref<64xf32, #tpu.memory_space<vmem>>, vector<16xf32>,
      %get3A_395 = vector.shape_cast %get3A_394 : vector<16xf32> to vector<16xf32>
      %jit3A_396 = arith.constant 0.000000e+00 : f32
      %broadcast_in_dim3A_397 = vector.broadcast %jit3A_396 : f32 to vector<16xf32>
      %select_n3A_398 = arith.select %eq3A_392, %get3A_395, %broadcast_in_dim3A_397 : vector<16xi1>, vector<16xf32>
      %add3A_399 = arith.addf %select_n3A_386, %select_n3A_398 : vector<16xf32>
      %swap3A_400 = arith.constant 208 : index
      %swap3A_401 = tpu.vector_load %arg11[%swap3A_400] {strides = array<i32>} : memref<512xf32, #tpu.memory_space<vmem>>, vector<16xf32>,
      %swap3A_402 = vector.shape_cast %swap3A_401 : vector<16xf32> to vector<16xf32>
      %swap3A_403 = vector.shape_cast %add3A_399 : vector<16xf32> to vector<16xf32>
      tpu.vector_store %arg11[%swap3A_400], %swap3A_403 {strides = array<i32>} : memref<512xf32, #tpu.memory_space<vmem>>, vector<16xf32>,
      %get3A_404 = arith.constant 32 : index
      %get3A_405 = tpu.vector_load %arg7[%get3A_404] {strides = array<i32>} : memref<64xi32, #tpu.memory_space<vmem>>, vector<16xi32>,
      %get3A_406 = vector.shape_cast %get3A_405 : vector<16xi32> to vector<16xi32>
      %eq3A_407 = arith.constant 3 : i32
      %eq3A_408 = vector.broadcast %eq3A_407 : i32 to vector<16xi32>
      %eq3A_409 = arith.cmpi eq, %get3A_406, %eq3A_408 : vector<16xi32>
      %get3A_410 = arith.constant 32 : index
      %get3A_411 = tpu.vector_load %arg9[%get3A_410] {strides = array<i32>} : memref<64xf32, #tpu.memory_space<vmem>>, vector<16xf32>,
      %get3A_412 = vector.shape_cast %get3A_411 : vector<16xf32> to vector<16xf32>
      %jit3A_413 = arith.constant 0.000000e+00 : f32
      %broadcast_in_dim3A_414 = vector.broadcast %jit3A_413 : f32 to vector<16xf32>
      %select_n3A_415 = arith.select %eq3A_409, %get3A_412, %broadcast_in_dim3A_414 : vector<16xi1>, vector<16xf32>
      %get3A_416 = arith.constant 32 : index
      %get3A_417 = tpu.vector_load %arg8[%get3A_416] {strides = array<i32>} : memref<64xi32, #tpu.memory_space<vmem>>, vector<16xi32>,
      %get3A_418 = vector.shape_cast %get3A_417 : vector<16xi32> to vector<16xi32>
      %eq3A_419 = arith.constant 3 : i32
      %eq3A_420 = vector.broadcast %eq3A_419 : i32 to vector<16xi32>
      %eq3A_421 = arith.cmpi eq, %get3A_418, %eq3A_420 : vector<16xi32>
      %get3A_422 = arith.constant 32 : index
      %get3A_423 = tpu.vector_load %arg10[%get3A_422] {strides = array<i32>} : memref<64xf32, #tpu.memory_space<vmem>>, vector<16xf32>,
      %get3A_424 = vector.shape_cast %get3A_423 : vector<16xf32> to vector<16xf32>
      %jit3A_425 = arith.constant 0.000000e+00 : f32
      %broadcast_in_dim3A_426 = vector.broadcast %jit3A_425 : f32 to vector<16xf32>
      %select_n3A_427 = arith.select %eq3A_421, %get3A_424, %broadcast_in_dim3A_426 : vector<16xi1>, vector<16xf32>
      %add3A_428 = arith.addf %select_n3A_415, %select_n3A_427 : vector<16xf32>
      %swap3A_429 = arith.constant 224 : index
      %swap3A_430 = tpu.vector_load %arg11[%swap3A_429] {strides = array<i32>} : memref<512xf32, #tpu.memory_space<vmem>>, vector<16xf32>,
      %swap3A_431 = vector.shape_cast %swap3A_430 : vector<16xf32> to vector<16xf32>
      %swap3A_432 = vector.shape_cast %add3A_428 : vector<16xf32> to vector<16xf32>
      tpu.vector_store %arg11[%swap3A_429], %swap3A_432 {strides = array<i32>} : memref<512xf32, #tpu.memory_space<vmem>>, vector<16xf32>,
      %get3A_433 = arith.constant 48 : index
      %get3A_434 = tpu.vector_load %arg7[%get3A_433] {strides = array<i32>} : memref<64xi32, #tpu.memory_space<vmem>>, vector<16xi32>,
      %get3A_435 = vector.shape_cast %get3A_434 : vector<16xi32> to vector<16xi32>
      %eq3A_436 = arith.constant 3 : i32
      %eq3A_437 = vector.broadcast %eq3A_436 : i32 to vector<16xi32>
      %eq3A_438 = arith.cmpi eq, %get3A_435, %eq3A_437 : vector<16xi32>
      %get3A_439 = arith.constant 48 : index
      %get3A_440 = tpu.vector_load %arg9[%get3A_439] {strides = array<i32>} : memref<64xf32, #tpu.memory_space<vmem>>, vector<16xf32>,
      %get3A_441 = vector.shape_cast %get3A_440 : vector<16xf32> to vector<16xf32>
      %jit3A_442 = arith.constant 0.000000e+00 : f32
      %broadcast_in_dim3A_443 = vector.broadcast %jit3A_442 : f32 to vector<16xf32>
      %select_n3A_444 = arith.select %eq3A_438, %get3A_441, %broadcast_in_dim3A_443 : vector<16xi1>, vector<16xf32>
      %get3A_445 = arith.constant 48 : index
      %get3A_446 = tpu.vector_load %arg8[%get3A_445] {strides = array<i32>} : memref<64xi32, #tpu.memory_space<vmem>>, vector<16xi32>,
      %get3A_447 = vector.shape_cast %get3A_446 : vector<16xi32> to vector<16xi32>
      %eq3A_448 = arith.constant 3 : i32
      %eq3A_449 = vector.broadcast %eq3A_448 : i32 to vector<16xi32>
      %eq3A_450 = arith.cmpi eq, %get3A_447, %eq3A_449 : vector<16xi32>
      %get3A_451 = arith.constant 48 : index
      %get3A_452 = tpu.vector_load %arg10[%get3A_451] {strides = array<i32>} : memref<64xf32, #tpu.memory_space<vmem>>, vector<16xf32>,
      %get3A_453 = vector.shape_cast %get3A_452 : vector<16xf32> to vector<16xf32>
      %jit3A_454 = arith.constant 0.000000e+00 : f32
      %broadcast_in_dim3A_455 = vector.broadcast %jit3A_454 : f32 to vector<16xf32>
      %select_n3A_456 = arith.select %eq3A_450, %get3A_453, %broadcast_in_dim3A_455 : vector<16xi1>, vector<16xf32>
      %add3A_457 = arith.addf %select_n3A_444, %select_n3A_456 : vector<16xf32>
      %swap3A_458 = arith.constant 240 : index
      %swap3A_459 = tpu.vector_load %arg11[%swap3A_458] {strides = array<i32>} : memref<512xf32, #tpu.memory_space<vmem>>, vector<16xf32>,
      %swap3A_460 = vector.shape_cast %swap3A_459 : vector<16xf32> to vector<16xf32>
      %swap3A_461 = vector.shape_cast %add3A_457 : vector<16xf32> to vector<16xf32>
      tpu.vector_store %arg11[%swap3A_458], %swap3A_461 {strides = array<i32>} : memref<512xf32, #tpu.memory_space<vmem>>, vector<16xf32>,
      %get3A_462 = arith.constant 0 : index
      %get3A_463 = tpu.vector_load %arg7[%get3A_462] {strides = array<i32>} : memref<64xi32, #tpu.memory_space<vmem>>, vector<16xi32>,
      %get3A_464 = vector.shape_cast %get3A_463 : vector<16xi32> to vector<16xi32>
      %eq3A_465 = arith.constant 4 : i32
      %eq3A_466 = vector.broadcast %eq3A_465 : i32 to vector<16xi32>
      %eq3A_467 = arith.cmpi eq, %get3A_464, %eq3A_466 : vector<16xi32>
      %get3A_468 = arith.constant 0 : index
      %get3A_469 = tpu.vector_load %arg9[%get3A_468] {strides = array<i32>} : memref<64xf32, #tpu.memory_space<vmem>>, vector<16xf32>,
      %get3A_470 = vector.shape_cast %get3A_469 : vector<16xf32> to vector<16xf32>
      %jit3A_471 = arith.constant 0.000000e+00 : f32
      %broadcast_in_dim3A_472 = vector.broadcast %jit3A_471 : f32 to vector<16xf32>
      %select_n3A_473 = arith.select %eq3A_467, %get3A_470, %broadcast_in_dim3A_472 : vector<16xi1>, vector<16xf32>
      %get3A_474 = arith.constant 0 : index
      %get3A_475 = tpu.vector_load %arg8[%get3A_474] {strides = array<i32>} : memref<64xi32, #tpu.memory_space<vmem>>, vector<16xi32>,
      %get3A_476 = vector.shape_cast %get3A_475 : vector<16xi32> to vector<16xi32>
      %eq3A_477 = arith.constant 4 : i32
      %eq3A_478 = vector.broadcast %eq3A_477 : i32 to vector<16xi32>
      %eq3A_479 = arith.cmpi eq, %get3A_476, %eq3A_478 : vector<16xi32>
      %get3A_480 = arith.constant 0 : index
      %get3A_481 = tpu.vector_load %arg10[%get3A_480] {strides = array<i32>} : memref<64xf32, #tpu.memory_space<vmem>>, vector<16xf32>,
      %get3A_482 = vector.shape_cast %get3A_481 : vector<16xf32> to vector<16xf32>
      %jit3A_483 = arith.constant 0.000000e+00 : f32
      %broadcast_in_dim3A_484 = vector.broadcast %jit3A_483 : f32 to vector<16xf32>
      %select_n3A_485 = arith.select %eq3A_479, %get3A_482, %broadcast_in_dim3A_484 : vector<16xi1>, vector<16xf32>
      %add3A_486 = arith.addf %select_n3A_473, %select_n3A_485 : vector<16xf32>
      %swap3A_487 = arith.constant 256 : index
      %swap3A_488 = tpu.vector_load %arg11[%swap3A_487] {strides = array<i32>} : memref<512xf32, #tpu.memory_space<vmem>>, vector<16xf32>,
      %swap3A_489 = vector.shape_cast %swap3A_488 : vector<16xf32> to vector<16xf32>
      %swap3A_490 = vector.shape_cast %add3A_486 : vector<16xf32> to vector<16xf32>
      tpu.vector_store %arg11[%swap3A_487], %swap3A_490 {strides = array<i32>} : memref<512xf32, #tpu.memory_space<vmem>>, vector<16xf32>,
      %get3A_491 = arith.constant 16 : index
      %get3A_492 = tpu.vector_load %arg7[%get3A_491] {strides = array<i32>} : memref<64xi32, #tpu.memory_space<vmem>>, vector<16xi32>,
      %get3A_493 = vector.shape_cast %get3A_492 : vector<16xi32> to vector<16xi32>
      %eq3A_494 = arith.constant 4 : i32
      %eq3A_495 = vector.broadcast %eq3A_494 : i32 to vector<16xi32>
      %eq3A_496 = arith.cmpi eq, %get3A_493, %eq3A_495 : vector<16xi32>
      %get3A_497 = arith.constant 16 : index
      %get3A_498 = tpu.vector_load %arg9[%get3A_497] {strides = array<i32>} : memref<64xf32, #tpu.memory_space<vmem>>, vector<16xf32>,
      %get3A_499 = vector.shape_cast %get3A_498 : vector<16xf32> to vector<16xf32>
      %jit3A_500 = arith.constant 0.000000e+00 : f32
      %broadcast_in_dim3A_501 = vector.broadcast %jit3A_500 : f32 to vector<16xf32>
      %select_n3A_502 = arith.select %eq3A_496, %get3A_499, %broadcast_in_dim3A_501 : vector<16xi1>, vector<16xf32>
      %get3A_503 = arith.constant 16 : index
      %get3A_504 = tpu.vector_load %arg8[%get3A_503] {strides = array<i32>} : memref<64xi32, #tpu.memory_space<vmem>>, vector<16xi32>,
      %get3A_505 = vector.shape_cast %get3A_504 : vector<16xi32> to vector<16xi32>
      %eq3A_506 = arith.constant 4 : i32
      %eq3A_507 = vector.broadcast %eq3A_506 : i32 to vector<16xi32>
      %eq3A_508 = arith.cmpi eq, %get3A_505, %eq3A_507 : vector<16xi32>
      %get3A_509 = arith.constant 16 : index
      %get3A_510 = tpu.vector_load %arg10[%get3A_509] {strides = array<i32>} : memref<64xf32, #tpu.memory_space<vmem>>, vector<16xf32>,
      %get3A_511 = vector.shape_cast %get3A_510 : vector<16xf32> to vector<16xf32>
      %jit3A_512 = arith.constant 0.000000e+00 : f32
      %broadcast_in_dim3A_513 = vector.broadcast %jit3A_512 : f32 to vector<16xf32>
      %select_n3A_514 = arith.select %eq3A_508, %get3A_511, %broadcast_in_dim3A_513 : vector<16xi1>, vector<16xf32>
      %add3A_515 = arith.addf %select_n3A_502, %select_n3A_514 : vector<16xf32>
      %swap3A_516 = arith.constant 272 : index
      %swap3A_517 = tpu.vector_load %arg11[%swap3A_516] {strides = array<i32>} : memref<512xf32, #tpu.memory_space<vmem>>, vector<16xf32>,
      %swap3A_518 = vector.shape_cast %swap3A_517 : vector<16xf32> to vector<16xf32>
      %swap3A_519 = vector.shape_cast %add3A_515 : vector<16xf32> to vector<16xf32>
      tpu.vector_store %arg11[%swap3A_516], %swap3A_519 {strides = array<i32>} : memref<512xf32, #tpu.memory_space<vmem>>, vector<16xf32>,
      %get3A_520 = arith.constant 32 : index
      %get3A_521 = tpu.vector_load %arg7[%get3A_520] {strides = array<i32>} : memref<64xi32, #tpu.memory_space<vmem>>, vector<16xi32>,
      %get3A_522 = vector.shape_cast %get3A_521 : vector<16xi32> to vector<16xi32>
      %eq3A_523 = arith.constant 4 : i32
      %eq3A_524 = vector.broadcast %eq3A_523 : i32 to vector<16xi32>
      %eq3A_525 = arith.cmpi eq, %get3A_522, %eq3A_524 : vector<16xi32>
      %get3A_526 = arith.constant 32 : index
      %get3A_527 = tpu.vector_load %arg9[%get3A_526] {strides = array<i32>} : memref<64xf32, #tpu.memory_space<vmem>>, vector<16xf32>,
      %get3A_528 = vector.shape_cast %get3A_527 : vector<16xf32> to vector<16xf32>
      %jit3A_529 = arith.constant 0.000000e+00 : f32
      %broadcast_in_dim3A_530 = vector.broadcast %jit3A_529 : f32 to vector<16xf32>
      %select_n3A_531 = arith.select %eq3A_525, %get3A_528, %broadcast_in_dim3A_530 : vector<16xi1>, vector<16xf32>
      %get3A_532 = arith.constant 32 : index
      %get3A_533 = tpu.vector_load %arg8[%get3A_532] {strides = array<i32>} : memref<64xi32, #tpu.memory_space<vmem>>, vector<16xi32>,
      %get3A_534 = vector.shape_cast %get3A_533 : vector<16xi32> to vector<16xi32>
      %eq3A_535 = arith.constant 4 : i32
      %eq3A_536 = vector.broadcast %eq3A_535 : i32 to vector<16xi32>
      %eq3A_537 = arith.cmpi eq, %get3A_534, %eq3A_536 : vector<16xi32>
      %get3A_538 = arith.constant 32 : index
      %get3A_539 = tpu.vector_load %arg10[%get3A_538] {strides = array<i32>} : memref<64xf32, #tpu.memory_space<vmem>>, vector<16xf32>,
      %get3A_540 = vector.shape_cast %get3A_539 : vector<16xf32> to vector<16xf32>
      %jit3A_541 = arith.constant 0.000000e+00 : f32
      %broadcast_in_dim3A_542 = vector.broadcast %jit3A_541 : f32 to vector<16xf32>
      %select_n3A_543 = arith.select %eq3A_537, %get3A_540, %broadcast_in_dim3A_542 : vector<16xi1>, vector<16xf32>
      %add3A_544 = arith.addf %select_n3A_531, %select_n3A_543 : vector<16xf32>
      %swap3A_545 = arith.constant 288 : index
      %swap3A_546 = tpu.vector_load %arg11[%swap3A_545] {strides = array<i32>} : memref<512xf32, #tpu.memory_space<vmem>>, vector<16xf32>,
      %swap3A_547 = vector.shape_cast %swap3A_546 : vector<16xf32> to vector<16xf32>
      %swap3A_548 = vector.shape_cast %add3A_544 : vector<16xf32> to vector<16xf32>
      tpu.vector_store %arg11[%swap3A_545], %swap3A_548 {strides = array<i32>} : memref<512xf32, #tpu.memory_space<vmem>>, vector<16xf32>,
      %get3A_549 = arith.constant 48 : index
      %get3A_550 = tpu.vector_load %arg7[%get3A_549] {strides = array<i32>} : memref<64xi32, #tpu.memory_space<vmem>>, vector<16xi32>,
      %get3A_551 = vector.shape_cast %get3A_550 : vector<16xi32> to vector<16xi32>
      %eq3A_552 = arith.constant 4 : i32
      %eq3A_553 = vector.broadcast %eq3A_552 : i32 to vector<16xi32>
      %eq3A_554 = arith.cmpi eq, %get3A_551, %eq3A_553 : vector<16xi32>
      %get3A_555 = arith.constant 48 : index
      %get3A_556 = tpu.vector_load %arg9[%get3A_555] {strides = array<i32>} : memref<64xf32, #tpu.memory_space<vmem>>, vector<16xf32>,
      %get3A_557 = vector.shape_cast %get3A_556 : vector<16xf32> to vector<16xf32>
      %jit3A_558 = arith.constant 0.000000e+00 : f32
      %broadcast_in_dim3A_559 = vector.broadcast %jit3A_558 : f32 to vector<16xf32>
      %select_n3A_560 = arith.select %eq3A_554, %get3A_557, %broadcast_in_dim3A_559 : vector<16xi1>, vector<16xf32>
      %get3A_561 = arith.constant 48 : index
      %get3A_562 = tpu.vector_load %arg8[%get3A_561] {strides = array<i32>} : memref<64xi32, #tpu.memory_space<vmem>>, vector<16xi32>,
      %get3A_563 = vector.shape_cast %get3A_562 : vector<16xi32> to vector<16xi32>
      %eq3A_564 = arith.constant 4 : i32
      %eq3A_565 = vector.broadcast %eq3A_564 : i32 to vector<16xi32>
      %eq3A_566 = arith.cmpi eq, %get3A_563, %eq3A_565 : vector<16xi32>
      %get3A_567 = arith.constant 48 : index
      %get3A_568 = tpu.vector_load %arg10[%get3A_567] {strides = array<i32>} : memref<64xf32, #tpu.memory_space<vmem>>, vector<16xf32>,
      %get3A_569 = vector.shape_cast %get3A_568 : vector<16xf32> to vector<16xf32>
      %jit3A_570 = arith.constant 0.000000e+00 : f32
      %broadcast_in_dim3A_571 = vector.broadcast %jit3A_570 : f32 to vector<16xf32>
      %select_n3A_572 = arith.select %eq3A_566, %get3A_569, %broadcast_in_dim3A_571 : vector<16xi1>, vector<16xf32>
      %add3A_573 = arith.addf %select_n3A_560, %select_n3A_572 : vector<16xf32>
      %swap3A_574 = arith.constant 304 : index
      %swap3A_575 = tpu.vector_load %arg11[%swap3A_574] {strides = array<i32>} : memref<512xf32, #tpu.memory_space<vmem>>, vector<16xf32>,
      %swap3A_576 = vector.shape_cast %swap3A_575 : vector<16xf32> to vector<16xf32>
      %swap3A_577 = vector.shape_cast %add3A_573 : vector<16xf32> to vector<16xf32>
      tpu.vector_store %arg11[%swap3A_574], %swap3A_577 {strides = array<i32>} : memref<512xf32, #tpu.memory_space<vmem>>, vector<16xf32>,
      %get3A_578 = arith.constant 0 : index
      %get3A_579 = tpu.vector_load %arg7[%get3A_578] {strides = array<i32>} : memref<64xi32, #tpu.memory_space<vmem>>, vector<16xi32>,
      %get3A_580 = vector.shape_cast %get3A_579 : vector<16xi32> to vector<16xi32>
      %eq3A_581 = arith.constant 5 : i32
      %eq3A_582 = vector.broadcast %eq3A_581 : i32 to vector<16xi32>
      %eq3A_583 = arith.cmpi eq, %get3A_580, %eq3A_582 : vector<16xi32>
      %get3A_584 = arith.constant 0 : index
      %get3A_585 = tpu.vector_load %arg9[%get3A_584] {strides = array<i32>} : memref<64xf32, #tpu.memory_space<vmem>>, vector<16xf32>,
      %get3A_586 = vector.shape_cast %get3A_585 : vector<16xf32> to vector<16xf32>
      %jit3A_587 = arith.constant 0.000000e+00 : f32
      %broadcast_in_dim3A_588 = vector.broadcast %jit3A_587 : f32 to vector<16xf32>
      %select_n3A_589 = arith.select %eq3A_583, %get3A_586, %broadcast_in_dim3A_588 : vector<16xi1>, vector<16xf32>
      %get3A_590 = arith.constant 0 : index
      %get3A_591 = tpu.vector_load %arg8[%get3A_590] {strides = array<i32>} : memref<64xi32, #tpu.memory_space<vmem>>, vector<16xi32>,
      %get3A_592 = vector.shape_cast %get3A_591 : vector<16xi32> to vector<16xi32>
      %eq3A_593 = arith.constant 5 : i32
      %eq3A_594 = vector.broadcast %eq3A_593 : i32 to vector<16xi32>
      %eq3A_595 = arith.cmpi eq, %get3A_592, %eq3A_594 : vector<16xi32>
      %get3A_596 = arith.constant 0 : index
      %get3A_597 = tpu.vector_load %arg10[%get3A_596] {strides = array<i32>} : memref<64xf32, #tpu.memory_space<vmem>>, vector<16xf32>,
      %get3A_598 = vector.shape_cast %get3A_597 : vector<16xf32> to vector<16xf32>
      %jit3A_599 = arith.constant 0.000000e+00 : f32
      %broadcast_in_dim3A_600 = vector.broadcast %jit3A_599 : f32 to vector<16xf32>
      %select_n3A_601 = arith.select %eq3A_595, %get3A_598, %broadcast_in_dim3A_600 : vector<16xi1>, vector<16xf32>
      %add3A_602 = arith.addf %select_n3A_589, %select_n3A_601 : vector<16xf32>
      %swap3A_603 = arith.constant 320 : index
      %swap3A_604 = tpu.vector_load %arg11[%swap3A_603] {strides = array<i32>} : memref<512xf32, #tpu.memory_space<vmem>>, vector<16xf32>,
      %swap3A_605 = vector.shape_cast %swap3A_604 : vector<16xf32> to vector<16xf32>
      %swap3A_606 = vector.shape_cast %add3A_602 : vector<16xf32> to vector<16xf32>
      tpu.vector_store %arg11[%swap3A_603], %swap3A_606 {strides = array<i32>} : memref<512xf32, #tpu.memory_space<vmem>>, vector<16xf32>,
      %get3A_607 = arith.constant 16 : index
      %get3A_608 = tpu.vector_load %arg7[%get3A_607] {strides = array<i32>} : memref<64xi32, #tpu.memory_space<vmem>>, vector<16xi32>,
      %get3A_609 = vector.shape_cast %get3A_608 : vector<16xi32> to vector<16xi32>
      %eq3A_610 = arith.constant 5 : i32
      %eq3A_611 = vector.broadcast %eq3A_610 : i32 to vector<16xi32>
      %eq3A_612 = arith.cmpi eq, %get3A_609, %eq3A_611 : vector<16xi32>
      %get3A_613 = arith.constant 16 : index
      %get3A_614 = tpu.vector_load %arg9[%get3A_613] {strides = array<i32>} : memref<64xf32, #tpu.memory_space<vmem>>, vector<16xf32>,
      %get3A_615 = vector.shape_cast %get3A_614 : vector<16xf32> to vector<16xf32>
      %jit3A_616 = arith.constant 0.000000e+00 : f32
      %broadcast_in_dim3A_617 = vector.broadcast %jit3A_616 : f32 to vector<16xf32>
      %select_n3A_618 = arith.select %eq3A_612, %get3A_615, %broadcast_in_dim3A_617 : vector<16xi1>, vector<16xf32>
      %get3A_619 = arith.constant 16 : index
      %get3A_620 = tpu.vector_load %arg8[%get3A_619] {strides = array<i32>} : memref<64xi32, #tpu.memory_space<vmem>>, vector<16xi32>,
      %get3A_621 = vector.shape_cast %get3A_620 : vector<16xi32> to vector<16xi32>
      %eq3A_622 = arith.constant 5 : i32
      %eq3A_623 = vector.broadcast %eq3A_622 : i32 to vector<16xi32>
      %eq3A_624 = arith.cmpi eq, %get3A_621, %eq3A_623 : vector<16xi32>
      %get3A_625 = arith.constant 16 : index
      %get3A_626 = tpu.vector_load %arg10[%get3A_625] {strides = array<i32>} : memref<64xf32, #tpu.memory_space<vmem>>, vector<16xf32>,
      %get3A_627 = vector.shape_cast %get3A_626 : vector<16xf32> to vector<16xf32>
      %jit3A_628 = arith.constant 0.000000e+00 : f32
      %broadcast_in_dim3A_629 = vector.broadcast %jit3A_628 : f32 to vector<16xf32>
      %select_n3A_630 = arith.select %eq3A_624, %get3A_627, %broadcast_in_dim3A_629 : vector<16xi1>, vector<16xf32>
      %add3A_631 = arith.addf %select_n3A_618, %select_n3A_630 : vector<16xf32>
      %swap3A_632 = arith.constant 336 : index
      %swap3A_633 = tpu.vector_load %arg11[%swap3A_632] {strides = array<i32>} : memref<512xf32, #tpu.memory_space<vmem>>, vector<16xf32>,
      %swap3A_634 = vector.shape_cast %swap3A_633 : vector<16xf32> to vector<16xf32>
      %swap3A_635 = vector.shape_cast %add3A_631 : vector<16xf32> to vector<16xf32>
      tpu.vector_store %arg11[%swap3A_632], %swap3A_635 {strides = array<i32>} : memref<512xf32, #tpu.memory_space<vmem>>, vector<16xf32>,
      %get3A_636 = arith.constant 32 : index
      %get3A_637 = tpu.vector_load %arg7[%get3A_636] {strides = array<i32>} : memref<64xi32, #tpu.memory_space<vmem>>, vector<16xi32>,
      %get3A_638 = vector.shape_cast %get3A_637 : vector<16xi32> to vector<16xi32>
      %eq3A_639 = arith.constant 5 : i32
      %eq3A_640 = vector.broadcast %eq3A_639 : i32 to vector<16xi32>
      %eq3A_641 = arith.cmpi eq, %get3A_638, %eq3A_640 : vector<16xi32>
      %get3A_642 = arith.constant 32 : index
      %get3A_643 = tpu.vector_load %arg9[%get3A_642] {strides = array<i32>} : memref<64xf32, #tpu.memory_space<vmem>>, vector<16xf32>,
      %get3A_644 = vector.shape_cast %get3A_643 : vector<16xf32> to vector<16xf32>
      %jit3A_645 = arith.constant 0.000000e+00 : f32
      %broadcast_in_dim3A_646 = vector.broadcast %jit3A_645 : f32 to vector<16xf32>
      %select_n3A_647 = arith.select %eq3A_641, %get3A_644, %broadcast_in_dim3A_646 : vector<16xi1>, vector<16xf32>
      %get3A_648 = arith.constant 32 : index
      %get3A_649 = tpu.vector_load %arg8[%get3A_648] {strides = array<i32>} : memref<64xi32, #tpu.memory_space<vmem>>, vector<16xi32>,
      %get3A_650 = vector.shape_cast %get3A_649 : vector<16xi32> to vector<16xi32>
      %eq3A_651 = arith.constant 5 : i32
      %eq3A_652 = vector.broadcast %eq3A_651 : i32 to vector<16xi32>
      %eq3A_653 = arith.cmpi eq, %get3A_650, %eq3A_652 : vector<16xi32>
      %get3A_654 = arith.constant 32 : index
      %get3A_655 = tpu.vector_load %arg10[%get3A_654] {strides = array<i32>} : memref<64xf32, #tpu.memory_space<vmem>>, vector<16xf32>,
      %get3A_656 = vector.shape_cast %get3A_655 : vector<16xf32> to vector<16xf32>
      %jit3A_657 = arith.constant 0.000000e+00 : f32
      %broadcast_in_dim3A_658 = vector.broadcast %jit3A_657 : f32 to vector<16xf32>
      %select_n3A_659 = arith.select %eq3A_653, %get3A_656, %broadcast_in_dim3A_658 : vector<16xi1>, vector<16xf32>
      %add3A_660 = arith.addf %select_n3A_647, %select_n3A_659 : vector<16xf32>
      %swap3A_661 = arith.constant 352 : index
      %swap3A_662 = tpu.vector_load %arg11[%swap3A_661] {strides = array<i32>} : memref<512xf32, #tpu.memory_space<vmem>>, vector<16xf32>,
      %swap3A_663 = vector.shape_cast %swap3A_662 : vector<16xf32> to vector<16xf32>
      %swap3A_664 = vector.shape_cast %add3A_660 : vector<16xf32> to vector<16xf32>
      tpu.vector_store %arg11[%swap3A_661], %swap3A_664 {strides = array<i32>} : memref<512xf32, #tpu.memory_space<vmem>>, vector<16xf32>,
      %get3A_665 = arith.constant 48 : index
      %get3A_666 = tpu.vector_load %arg7[%get3A_665] {strides = array<i32>} : memref<64xi32, #tpu.memory_space<vmem>>, vector<16xi32>,
      %get3A_667 = vector.shape_cast %get3A_666 : vector<16xi32> to vector<16xi32>
      %eq3A_668 = arith.constant 5 : i32
      %eq3A_669 = vector.broadcast %eq3A_668 : i32 to vector<16xi32>
      %eq3A_670 = arith.cmpi eq, %get3A_667, %eq3A_669 : vector<16xi32>
      %get3A_671 = arith.constant 48 : index
      %get3A_672 = tpu.vector_load %arg9[%get3A_671] {strides = array<i32>} : memref<64xf32, #tpu.memory_space<vmem>>, vector<16xf32>,
      %get3A_673 = vector.shape_cast %get3A_672 : vector<16xf32> to vector<16xf32>
      %jit3A_674 = arith.constant 0.000000e+00 : f32
      %broadcast_in_dim3A_675 = vector.broadcast %jit3A_674 : f32 to vector<16xf32>
      %select_n3A_676 = arith.select %eq3A_670, %get3A_673, %broadcast_in_dim3A_675 : vector<16xi1>, vector<16xf32>
      %get3A_677 = arith.constant 48 : index
      %get3A_678 = tpu.vector_load %arg8[%get3A_677] {strides = array<i32>} : memref<64xi32, #tpu.memory_space<vmem>>, vector<16xi32>,
      %get3A_679 = vector.shape_cast %get3A_678 : vector<16xi32> to vector<16xi32>
      %eq3A_680 = arith.constant 5 : i32
      %eq3A_681 = vector.broadcast %eq3A_680 : i32 to vector<16xi32>
      %eq3A_682 = arith.cmpi eq, %get3A_679, %eq3A_681 : vector<16xi32>
      %get3A_683 = arith.constant 48 : index
      %get3A_684 = tpu.vector_load %arg10[%get3A_683] {strides = array<i32>} : memref<64xf32, #tpu.memory_space<vmem>>, vector<16xf32>,
      %get3A_685 = vector.shape_cast %get3A_684 : vector<16xf32> to vector<16xf32>
      %jit3A_686 = arith.constant 0.000000e+00 : f32
      %broadcast_in_dim3A_687 = vector.broadcast %jit3A_686 : f32 to vector<16xf32>
      %select_n3A_688 = arith.select %eq3A_682, %get3A_685, %broadcast_in_dim3A_687 : vector<16xi1>, vector<16xf32>
      %add3A_689 = arith.addf %select_n3A_676, %select_n3A_688 : vector<16xf32>
      %swap3A_690 = arith.constant 368 : index
      %swap3A_691 = tpu.vector_load %arg11[%swap3A_690] {strides = array<i32>} : memref<512xf32, #tpu.memory_space<vmem>>, vector<16xf32>,
      %swap3A_692 = vector.shape_cast %swap3A_691 : vector<16xf32> to vector<16xf32>
      %swap3A_693 = vector.shape_cast %add3A_689 : vector<16xf32> to vector<16xf32>
      tpu.vector_store %arg11[%swap3A_690], %swap3A_693 {strides = array<i32>} : memref<512xf32, #tpu.memory_space<vmem>>, vector<16xf32>,
      %get3A_694 = arith.constant 0 : index
      %get3A_695 = tpu.vector_load %arg7[%get3A_694] {strides = array<i32>} : memref<64xi32, #tpu.memory_space<vmem>>, vector<16xi32>,
      %get3A_696 = vector.shape_cast %get3A_695 : vector<16xi32> to vector<16xi32>
      %eq3A_697 = arith.constant 6 : i32
      %eq3A_698 = vector.broadcast %eq3A_697 : i32 to vector<16xi32>
      %eq3A_699 = arith.cmpi eq, %get3A_696, %eq3A_698 : vector<16xi32>
      %get3A_700 = arith.constant 0 : index
      %get3A_701 = tpu.vector_load %arg9[%get3A_700] {strides = array<i32>} : memref<64xf32, #tpu.memory_space<vmem>>, vector<16xf32>,
      %get3A_702 = vector.shape_cast %get3A_701 : vector<16xf32> to vector<16xf32>
      %jit3A_703 = arith.constant 0.000000e+00 : f32
      %broadcast_in_dim3A_704 = vector.broadcast %jit3A_703 : f32 to vector<16xf32>
      %select_n3A_705 = arith.select %eq3A_699, %get3A_702, %broadcast_in_dim3A_704 : vector<16xi1>, vector<16xf32>
      %get3A_706 = arith.constant 0 : index
      %get3A_707 = tpu.vector_load %arg8[%get3A_706] {strides = array<i32>} : memref<64xi32, #tpu.memory_space<vmem>>, vector<16xi32>,
      %get3A_708 = vector.shape_cast %get3A_707 : vector<16xi32> to vector<16xi32>
      %eq3A_709 = arith.constant 6 : i32
      %eq3A_710 = vector.broadcast %eq3A_709 : i32 to vector<16xi32>
      %eq3A_711 = arith.cmpi eq, %get3A_708, %eq3A_710 : vector<16xi32>
      %get3A_712 = arith.constant 0 : index
      %get3A_713 = tpu.vector_load %arg10[%get3A_712] {strides = array<i32>} : memref<64xf32, #tpu.memory_space<vmem>>, vector<16xf32>,
      %get3A_714 = vector.shape_cast %get3A_713 : vector<16xf32> to vector<16xf32>
      %jit3A_715 = arith.constant 0.000000e+00 : f32
      %broadcast_in_dim3A_716 = vector.broadcast %jit3A_715 : f32 to vector<16xf32>
      %select_n3A_717 = arith.select %eq3A_711, %get3A_714, %broadcast_in_dim3A_716 : vector<16xi1>, vector<16xf32>
      %add3A_718 = arith.addf %select_n3A_705, %select_n3A_717 : vector<16xf32>
      %swap3A_719 = arith.constant 384 : index
      %swap3A_720 = tpu.vector_load %arg11[%swap3A_719] {strides = array<i32>} : memref<512xf32, #tpu.memory_space<vmem>>, vector<16xf32>,
      %swap3A_721 = vector.shape_cast %swap3A_720 : vector<16xf32> to vector<16xf32>
      %swap3A_722 = vector.shape_cast %add3A_718 : vector<16xf32> to vector<16xf32>
      tpu.vector_store %arg11[%swap3A_719], %swap3A_722 {strides = array<i32>} : memref<512xf32, #tpu.memory_space<vmem>>, vector<16xf32>,
      %get3A_723 = arith.constant 16 : index
      %get3A_724 = tpu.vector_load %arg7[%get3A_723] {strides = array<i32>} : memref<64xi32, #tpu.memory_space<vmem>>, vector<16xi32>,
      %get3A_725 = vector.shape_cast %get3A_724 : vector<16xi32> to vector<16xi32>
      %eq3A_726 = arith.constant 6 : i32
      %eq3A_727 = vector.broadcast %eq3A_726 : i32 to vector<16xi32>
      %eq3A_728 = arith.cmpi eq, %get3A_725, %eq3A_727 : vector<16xi32>
      %get3A_729 = arith.constant 16 : index
      %get3A_730 = tpu.vector_load %arg9[%get3A_729] {strides = array<i32>} : memref<64xf32, #tpu.memory_space<vmem>>, vector<16xf32>,
      %get3A_731 = vector.shape_cast %get3A_730 : vector<16xf32> to vector<16xf32>
      %jit3A_732 = arith.constant 0.000000e+00 : f32
      %broadcast_in_dim3A_733 = vector.broadcast %jit3A_732 : f32 to vector<16xf32>
      %select_n3A_734 = arith.select %eq3A_728, %get3A_731, %broadcast_in_dim3A_733 : vector<16xi1>, vector<16xf32>
      %get3A_735 = arith.constant 16 : index
      %get3A_736 = tpu.vector_load %arg8[%get3A_735] {strides = array<i32>} : memref<64xi32, #tpu.memory_space<vmem>>, vector<16xi32>,
      %get3A_737 = vector.shape_cast %get3A_736 : vector<16xi32> to vector<16xi32>
      %eq3A_738 = arith.constant 6 : i32
      %eq3A_739 = vector.broadcast %eq3A_738 : i32 to vector<16xi32>
      %eq3A_740 = arith.cmpi eq, %get3A_737, %eq3A_739 : vector<16xi32>
      %get3A_741 = arith.constant 16 : index
      %get3A_742 = tpu.vector_load %arg10[%get3A_741] {strides = array<i32>} : memref<64xf32, #tpu.memory_space<vmem>>, vector<16xf32>,
      %get3A_743 = vector.shape_cast %get3A_742 : vector<16xf32> to vector<16xf32>
      %jit3A_744 = arith.constant 0.000000e+00 : f32
      %broadcast_in_dim3A_745 = vector.broadcast %jit3A_744 : f32 to vector<16xf32>
      %select_n3A_746 = arith.select %eq3A_740, %get3A_743, %broadcast_in_dim3A_745 : vector<16xi1>, vector<16xf32>
      %add3A_747 = arith.addf %select_n3A_734, %select_n3A_746 : vector<16xf32>
      %swap3A_748 = arith.constant 400 : index
      %swap3A_749 = tpu.vector_load %arg11[%swap3A_748] {strides = array<i32>} : memref<512xf32, #tpu.memory_space<vmem>>, vector<16xf32>,
      %swap3A_750 = vector.shape_cast %swap3A_749 : vector<16xf32> to vector<16xf32>
      %swap3A_751 = vector.shape_cast %add3A_747 : vector<16xf32> to vector<16xf32>
      tpu.vector_store %arg11[%swap3A_748], %swap3A_751 {strides = array<i32>} : memref<512xf32, #tpu.memory_space<vmem>>, vector<16xf32>,
      %get3A_752 = arith.constant 32 : index
      %get3A_753 = tpu.vector_load %arg7[%get3A_752] {strides = array<i32>} : memref<64xi32, #tpu.memory_space<vmem>>, vector<16xi32>,
      %get3A_754 = vector.shape_cast %get3A_753 : vector<16xi32> to vector<16xi32>
      %eq3A_755 = arith.constant 6 : i32
      %eq3A_756 = vector.broadcast %eq3A_755 : i32 to vector<16xi32>
      %eq3A_757 = arith.cmpi eq, %get3A_754, %eq3A_756 : vector<16xi32>
      %get3A_758 = arith.constant 32 : index
      %get3A_759 = tpu.vector_load %arg9[%get3A_758] {strides = array<i32>} : memref<64xf32, #tpu.memory_space<vmem>>, vector<16xf32>,
      %get3A_760 = vector.shape_cast %get3A_759 : vector<16xf32> to vector<16xf32>
      %jit3A_761 = arith.constant 0.000000e+00 : f32
      %broadcast_in_dim3A_762 = vector.broadcast %jit3A_761 : f32 to vector<16xf32>
      %select_n3A_763 = arith.select %eq3A_757, %get3A_760, %broadcast_in_dim3A_762 : vector<16xi1>, vector<16xf32>
      %get3A_764 = arith.constant 32 : index
      %get3A_765 = tpu.vector_load %arg8[%get3A_764] {strides = array<i32>} : memref<64xi32, #tpu.memory_space<vmem>>, vector<16xi32>,
      %get3A_766 = vector.shape_cast %get3A_765 : vector<16xi32> to vector<16xi32>
      %eq3A_767 = arith.constant 6 : i32
      %eq3A_768 = vector.broadcast %eq3A_767 : i32 to vector<16xi32>
      %eq3A_769 = arith.cmpi eq, %get3A_766, %eq3A_768 : vector<16xi32>
      %get3A_770 = arith.constant 32 : index
      %get3A_771 = tpu.vector_load %arg10[%get3A_770] {strides = array<i32>} : memref<64xf32, #tpu.memory_space<vmem>>, vector<16xf32>,
      %get3A_772 = vector.shape_cast %get3A_771 : vector<16xf32> to vector<16xf32>
      %jit3A_773 = arith.constant 0.000000e+00 : f32
      %broadcast_in_dim3A_774 = vector.broadcast %jit3A_773 : f32 to vector<16xf32>
      %select_n3A_775 = arith.select %eq3A_769, %get3A_772, %broadcast_in_dim3A_774 : vector<16xi1>, vector<16xf32>
      %add3A_776 = arith.addf %select_n3A_763, %select_n3A_775 : vector<16xf32>
      %swap3A_777 = arith.constant 416 : index
      %swap3A_778 = tpu.vector_load %arg11[%swap3A_777] {strides = array<i32>} : memref<512xf32, #tpu.memory_space<vmem>>, vector<16xf32>,
      %swap3A_779 = vector.shape_cast %swap3A_778 : vector<16xf32> to vector<16xf32>
      %swap3A_780 = vector.shape_cast %add3A_776 : vector<16xf32> to vector<16xf32>
      tpu.vector_store %arg11[%swap3A_777], %swap3A_780 {strides = array<i32>} : memref<512xf32, #tpu.memory_space<vmem>>, vector<16xf32>,
      %get3A_781 = arith.constant 48 : index
      %get3A_782 = tpu.vector_load %arg7[%get3A_781] {strides = array<i32>} : memref<64xi32, #tpu.memory_space<vmem>>, vector<16xi32>,
      %get3A_783 = vector.shape_cast %get3A_782 : vector<16xi32> to vector<16xi32>
      %eq3A_784 = arith.constant 6 : i32
      %eq3A_785 = vector.broadcast %eq3A_784 : i32 to vector<16xi32>
      %eq3A_786 = arith.cmpi eq, %get3A_783, %eq3A_785 : vector<16xi32>
      %get3A_787 = arith.constant 48 : index
      %get3A_788 = tpu.vector_load %arg9[%get3A_787] {strides = array<i32>} : memref<64xf32, #tpu.memory_space<vmem>>, vector<16xf32>,
      %get3A_789 = vector.shape_cast %get3A_788 : vector<16xf32> to vector<16xf32>
      %jit3A_790 = arith.constant 0.000000e+00 : f32
      %broadcast_in_dim3A_791 = vector.broadcast %jit3A_790 : f32 to vector<16xf32>
      %select_n3A_792 = arith.select %eq3A_786, %get3A_789, %broadcast_in_dim3A_791 : vector<16xi1>, vector<16xf32>
      %get3A_793 = arith.constant 48 : index
      %get3A_794 = tpu.vector_load %arg8[%get3A_793] {strides = array<i32>} : memref<64xi32, #tpu.memory_space<vmem>>, vector<16xi32>,
      %get3A_795 = vector.shape_cast %get3A_794 : vector<16xi32> to vector<16xi32>
      %eq3A_796 = arith.constant 6 : i32
      %eq3A_797 = vector.broadcast %eq3A_796 : i32 to vector<16xi32>
      %eq3A_798 = arith.cmpi eq, %get3A_795, %eq3A_797 : vector<16xi32>
      %get3A_799 = arith.constant 48 : index
      %get3A_800 = tpu.vector_load %arg10[%get3A_799] {strides = array<i32>} : memref<64xf32, #tpu.memory_space<vmem>>, vector<16xf32>,
      %get3A_801 = vector.shape_cast %get3A_800 : vector<16xf32> to vector<16xf32>
      %jit3A_802 = arith.constant 0.000000e+00 : f32
      %broadcast_in_dim3A_803 = vector.broadcast %jit3A_802 : f32 to vector<16xf32>
      %select_n3A_804 = arith.select %eq3A_798, %get3A_801, %broadcast_in_dim3A_803 : vector<16xi1>, vector<16xf32>
      %add3A_805 = arith.addf %select_n3A_792, %select_n3A_804 : vector<16xf32>
      %swap3A_806 = arith.constant 432 : index
      %swap3A_807 = tpu.vector_load %arg11[%swap3A_806] {strides = array<i32>} : memref<512xf32, #tpu.memory_space<vmem>>, vector<16xf32>,
      %swap3A_808 = vector.shape_cast %swap3A_807 : vector<16xf32> to vector<16xf32>
      %swap3A_809 = vector.shape_cast %add3A_805 : vector<16xf32> to vector<16xf32>
      tpu.vector_store %arg11[%swap3A_806], %swap3A_809 {strides = array<i32>} : memref<512xf32, #tpu.memory_space<vmem>>, vector<16xf32>,
      %get3A_810 = arith.constant 0 : index
      %get3A_811 = tpu.vector_load %arg7[%get3A_810] {strides = array<i32>} : memref<64xi32, #tpu.memory_space<vmem>>, vector<16xi32>,
      %get3A_812 = vector.shape_cast %get3A_811 : vector<16xi32> to vector<16xi32>
      %eq3A_813 = arith.constant 7 : i32
      %eq3A_814 = vector.broadcast %eq3A_813 : i32 to vector<16xi32>
      %eq3A_815 = arith.cmpi eq, %get3A_812, %eq3A_814 : vector<16xi32>
      %get3A_816 = arith.constant 0 : index
      %get3A_817 = tpu.vector_load %arg9[%get3A_816] {strides = array<i32>} : memref<64xf32, #tpu.memory_space<vmem>>, vector<16xf32>,
      %get3A_818 = vector.shape_cast %get3A_817 : vector<16xf32> to vector<16xf32>
      %jit3A_819 = arith.constant 0.000000e+00 : f32
      %broadcast_in_dim3A_820 = vector.broadcast %jit3A_819 : f32 to vector<16xf32>
      %select_n3A_821 = arith.select %eq3A_815, %get3A_818, %broadcast_in_dim3A_820 : vector<16xi1>, vector<16xf32>
      %get3A_822 = arith.constant 0 : index
      %get3A_823 = tpu.vector_load %arg8[%get3A_822] {strides = array<i32>} : memref<64xi32, #tpu.memory_space<vmem>>, vector<16xi32>,
      %get3A_824 = vector.shape_cast %get3A_823 : vector<16xi32> to vector<16xi32>
      %eq3A_825 = arith.constant 7 : i32
      %eq3A_826 = vector.broadcast %eq3A_825 : i32 to vector<16xi32>
      %eq3A_827 = arith.cmpi eq, %get3A_824, %eq3A_826 : vector<16xi32>
      %get3A_828 = arith.constant 0 : index
      %get3A_829 = tpu.vector_load %arg10[%get3A_828] {strides = array<i32>} : memref<64xf32, #tpu.memory_space<vmem>>, vector<16xf32>,
      %get3A_830 = vector.shape_cast %get3A_829 : vector<16xf32> to vector<16xf32>
      %jit3A_831 = arith.constant 0.000000e+00 : f32
      %broadcast_in_dim3A_832 = vector.broadcast %jit3A_831 : f32 to vector<16xf32>
      %select_n3A_833 = arith.select %eq3A_827, %get3A_830, %broadcast_in_dim3A_832 : vector<16xi1>, vector<16xf32>
      %add3A_834 = arith.addf %select_n3A_821, %select_n3A_833 : vector<16xf32>
      %swap3A_835 = arith.constant 448 : index
      %swap3A_836 = tpu.vector_load %arg11[%swap3A_835] {strides = array<i32>} : memref<512xf32, #tpu.memory_space<vmem>>, vector<16xf32>,
      %swap3A_837 = vector.shape_cast %swap3A_836 : vector<16xf32> to vector<16xf32>
      %swap3A_838 = vector.shape_cast %add3A_834 : vector<16xf32> to vector<16xf32>
      tpu.vector_store %arg11[%swap3A_835], %swap3A_838 {strides = array<i32>} : memref<512xf32, #tpu.memory_space<vmem>>, vector<16xf32>,
      %get3A_839 = arith.constant 16 : index
      %get3A_840 = tpu.vector_load %arg7[%get3A_839] {strides = array<i32>} : memref<64xi32, #tpu.memory_space<vmem>>, vector<16xi32>,
      %get3A_841 = vector.shape_cast %get3A_840 : vector<16xi32> to vector<16xi32>
      %eq3A_842 = arith.constant 7 : i32
      %eq3A_843 = vector.broadcast %eq3A_842 : i32 to vector<16xi32>
      %eq3A_844 = arith.cmpi eq, %get3A_841, %eq3A_843 : vector<16xi32>
      %get3A_845 = arith.constant 16 : index
      %get3A_846 = tpu.vector_load %arg9[%get3A_845] {strides = array<i32>} : memref<64xf32, #tpu.memory_space<vmem>>, vector<16xf32>,
      %get3A_847 = vector.shape_cast %get3A_846 : vector<16xf32> to vector<16xf32>
      %jit3A_848 = arith.constant 0.000000e+00 : f32
      %broadcast_in_dim3A_849 = vector.broadcast %jit3A_848 : f32 to vector<16xf32>
      %select_n3A_850 = arith.select %eq3A_844, %get3A_847, %broadcast_in_dim3A_849 : vector<16xi1>, vector<16xf32>
      %get3A_851 = arith.constant 16 : index
      %get3A_852 = tpu.vector_load %arg8[%get3A_851] {strides = array<i32>} : memref<64xi32, #tpu.memory_space<vmem>>, vector<16xi32>,
      %get3A_853 = vector.shape_cast %get3A_852 : vector<16xi32> to vector<16xi32>
      %eq3A_854 = arith.constant 7 : i32
      %eq3A_855 = vector.broadcast %eq3A_854 : i32 to vector<16xi32>
      %eq3A_856 = arith.cmpi eq, %get3A_853, %eq3A_855 : vector<16xi32>
      %get3A_857 = arith.constant 16 : index
      %get3A_858 = tpu.vector_load %arg10[%get3A_857] {strides = array<i32>} : memref<64xf32, #tpu.memory_space<vmem>>, vector<16xf32>,
      %get3A_859 = vector.shape_cast %get3A_858 : vector<16xf32> to vector<16xf32>
      %jit3A_860 = arith.constant 0.000000e+00 : f32
      %broadcast_in_dim3A_861 = vector.broadcast %jit3A_860 : f32 to vector<16xf32>
      %select_n3A_862 = arith.select %eq3A_856, %get3A_859, %broadcast_in_dim3A_861 : vector<16xi1>, vector<16xf32>
      %add3A_863 = arith.addf %select_n3A_850, %select_n3A_862 : vector<16xf32>
      %swap3A_864 = arith.constant 464 : index
      %swap3A_865 = tpu.vector_load %arg11[%swap3A_864] {strides = array<i32>} : memref<512xf32, #tpu.memory_space<vmem>>, vector<16xf32>,
      %swap3A_866 = vector.shape_cast %swap3A_865 : vector<16xf32> to vector<16xf32>
      %swap3A_867 = vector.shape_cast %add3A_863 : vector<16xf32> to vector<16xf32>
      tpu.vector_store %arg11[%swap3A_864], %swap3A_867 {strides = array<i32>} : memref<512xf32, #tpu.memory_space<vmem>>, vector<16xf32>,
      %get3A_868 = arith.constant 32 : index
      %get3A_869 = tpu.vector_load %arg7[%get3A_868] {strides = array<i32>} : memref<64xi32, #tpu.memory_space<vmem>>, vector<16xi32>,
      %get3A_870 = vector.shape_cast %get3A_869 : vector<16xi32> to vector<16xi32>
      %eq3A_871 = arith.constant 7 : i32
      %eq3A_872 = vector.broadcast %eq3A_871 : i32 to vector<16xi32>
      %eq3A_873 = arith.cmpi eq, %get3A_870, %eq3A_872 : vector<16xi32>
      %get3A_874 = arith.constant 32 : index
      %get3A_875 = tpu.vector_load %arg9[%get3A_874] {strides = array<i32>} : memref<64xf32, #tpu.memory_space<vmem>>, vector<16xf32>,
      %get3A_876 = vector.shape_cast %get3A_875 : vector<16xf32> to vector<16xf32>
      %jit3A_877 = arith.constant 0.000000e+00 : f32
      %broadcast_in_dim3A_878 = vector.broadcast %jit3A_877 : f32 to vector<16xf32>
      %select_n3A_879 = arith.select %eq3A_873, %get3A_876, %broadcast_in_dim3A_878 : vector<16xi1>, vector<16xf32>
      %get3A_880 = arith.constant 32 : index
      %get3A_881 = tpu.vector_load %arg8[%get3A_880] {strides = array<i32>} : memref<64xi32, #tpu.memory_space<vmem>>, vector<16xi32>,
      %get3A_882 = vector.shape_cast %get3A_881 : vector<16xi32> to vector<16xi32>
      %eq3A_883 = arith.constant 7 : i32
      %eq3A_884 = vector.broadcast %eq3A_883 : i32 to vector<16xi32>
      %eq3A_885 = arith.cmpi eq, %get3A_882, %eq3A_884 : vector<16xi32>
      %get3A_886 = arith.constant 32 : index
      %get3A_887 = tpu.vector_load %arg10[%get3A_886] {strides = array<i32>} : memref<64xf32, #tpu.memory_space<vmem>>, vector<16xf32>,
      %get3A_888 = vector.shape_cast %get3A_887 : vector<16xf32> to vector<16xf32>
      %jit3A_889 = arith.constant 0.000000e+00 : f32
      %broadcast_in_dim3A_890 = vector.broadcast %jit3A_889 : f32 to vector<16xf32>
      %select_n3A_891 = arith.select %eq3A_885, %get3A_888, %broadcast_in_dim3A_890 : vector<16xi1>, vector<16xf32>
      %add3A_892 = arith.addf %select_n3A_879, %select_n3A_891 : vector<16xf32>
      %swap3A_893 = arith.constant 480 : index
      %swap3A_894 = tpu.vector_load %arg11[%swap3A_893] {strides = array<i32>} : memref<512xf32, #tpu.memory_space<vmem>>, vector<16xf32>,
      %swap3A_895 = vector.shape_cast %swap3A_894 : vector<16xf32> to vector<16xf32>
      %swap3A_896 = vector.shape_cast %add3A_892 : vector<16xf32> to vector<16xf32>
      tpu.vector_store %arg11[%swap3A_893], %swap3A_896 {strides = array<i32>} : memref<512xf32, #tpu.memory_space<vmem>>, vector<16xf32>,
      %get3A_897 = arith.constant 48 : index
      %get3A_898 = tpu.vector_load %arg7[%get3A_897] {strides = array<i32>} : memref<64xi32, #tpu.memory_space<vmem>>, vector<16xi32>,
      %get3A_899 = vector.shape_cast %get3A_898 : vector<16xi32> to vector<16xi32>
      %eq3A_900 = arith.constant 7 : i32
      %eq3A_901 = vector.broadcast %eq3A_900 : i32 to vector<16xi32>
      %eq3A_902 = arith.cmpi eq, %get3A_899, %eq3A_901 : vector<16xi32>
      %get3A_903 = arith.constant 48 : index
      %get3A_904 = tpu.vector_load %arg9[%get3A_903] {strides = array<i32>} : memref<64xf32, #tpu.memory_space<vmem>>, vector<16xf32>,
      %get3A_905 = vector.shape_cast %get3A_904 : vector<16xf32> to vector<16xf32>
      %jit3A_906 = arith.constant 0.000000e+00 : f32
      %broadcast_in_dim3A_907 = vector.broadcast %jit3A_906 : f32 to vector<16xf32>
      %select_n3A_908 = arith.select %eq3A_902, %get3A_905, %broadcast_in_dim3A_907 : vector<16xi1>, vector<16xf32>
      %get3A_909 = arith.constant 48 : index
      %get3A_910 = tpu.vector_load %arg8[%get3A_909] {strides = array<i32>} : memref<64xi32, #tpu.memory_space<vmem>>, vector<16xi32>,
      %get3A_911 = vector.shape_cast %get3A_910 : vector<16xi32> to vector<16xi32>
      %eq3A_912 = arith.constant 7 : i32
      %eq3A_913 = vector.broadcast %eq3A_912 : i32 to vector<16xi32>
      %eq3A_914 = arith.cmpi eq, %get3A_911, %eq3A_913 : vector<16xi32>
      %get3A_915 = arith.constant 48 : index
      %get3A_916 = tpu.vector_load %arg10[%get3A_915] {strides = array<i32>} : memref<64xf32, #tpu.memory_space<vmem>>, vector<16xf32>,
      %get3A_917 = vector.shape_cast %get3A_916 : vector<16xf32> to vector<16xf32>
      %jit3A_918 = arith.constant 0.000000e+00 : f32
      %broadcast_in_dim3A_919 = vector.broadcast %jit3A_918 : f32 to vector<16xf32>
      %select_n3A_920 = arith.select %eq3A_914, %get3A_917, %broadcast_in_dim3A_919 : vector<16xi1>, vector<16xf32>
      %add3A_921 = arith.addf %select_n3A_908, %select_n3A_920 : vector<16xf32>
      %swap3A_922 = arith.constant 496 : index
      %swap3A_923 = tpu.vector_load %arg11[%swap3A_922] {strides = array<i32>} : memref<512xf32, #tpu.memory_space<vmem>>, vector<16xf32>,
      %swap3A_924 = vector.shape_cast %swap3A_923 : vector<16xf32> to vector<16xf32>
      %swap3A_925 = vector.shape_cast %add3A_921 : vector<16xf32> to vector<16xf32>
      tpu.vector_store %arg11[%swap3A_922], %swap3A_925 {strides = array<i32>} : memref<512xf32, #tpu.memory_space<vmem>>, vector<16xf32>,
      "tpu.region"() ({
        %run_scoped3A = tpu.sem_alloc : memref<!tpu.dma_semaphore, #tpu.memory_space<semaphore_mem>>
        tpu.enqueue_dma source(%arg11 : memref<512xf32, #tpu.memory_space<vmem>>) target(%arg6 : memref<512xf32, #tpu.memory_space<hbm>>) target_semaphore(%run_scoped3A : memref<!tpu.dma_semaphore, #tpu.memory_space<semaphore_mem>>)
        tpu.wait_dma2 semaphore(%run_scoped3A : memref<!tpu.dma_semaphore, #tpu.memory_space<semaphore_mem>>) src(%arg11 : memref<512xf32, #tpu.memory_space<vmem>>) dst(%arg6 : memref<512xf32, #tpu.memory_space<hbm>>)
        tpu.yield
      }) : () -> ()
    } else {
    }
    return
  }
}

module attributes {stable_mosaic.version = 14 : i64} {
  func.func @_moe_body(%arg0: i32, %arg1: i32, %arg2: memref<8x64xf32, #tpu.memory_space<vmem>>, %arg3: memref<64x1024xf32, #tpu.memory_space<vmem>>, %arg4: memref<1x1024x1024xf32, #tpu.memory_space<vmem>>, %arg5: memref<1x1024x1024xf32, #tpu.memory_space<vmem>>, %arg6: memref<1x1024x1024xf32, #tpu.memory_space<vmem>>, %arg7: memref<64x1024xf32, #tpu.memory_space<vmem>>) attributes {dimension_semantics = [#tpu.dimension_semantics<arbitrary>, #tpu.dimension_semantics<arbitrary>], iteration_bounds = array<i64: 8, 4>, scalar_prefetch = 0 : i64, scratch_operands = 0 : i64, tpu.core_type = #tpu.core_type<tc>, window_params = [{pipeline_mode = #tpu.pipeline_mode<synchronous>, transform_indices = @transform_0, window_bounds = array<i64: 8, 64>}, {pipeline_mode = #tpu.pipeline_mode<synchronous>, transform_indices = @transform_1, window_bounds = array<i64: 64, 1024>}, {transform_indices = @transform_2, window_bounds = array<i64: 1, 1024, 1024>}, {transform_indices = @transform_3, window_bounds = array<i64: 1, 1024, 1024>}, {transform_indices = @transform_4, window_bounds = array<i64: 1, 1024, 1024>}, {pipeline_mode = #tpu.pipeline_mode<synchronous>, transform_indices = @transform_5, window_bounds = array<i64: 64, 1024>}]} {
    %eq3A = arith.constant 0 : i32
    %eq3A_0 = arith.cmpi eq, %arg0, %eq3A : i32
    %eq3A_1 = arith.constant 0 : i32
    %eq3A_2 = arith.cmpi eq, %arg1, %eq3A_1 : i32
    %and3A = arith.andi %eq3A_0, %eq3A_2 : i1
    %convert_element_type3A = arith.extui %and3A : i1 to i32
    %cond3A = arith.constant 0 : i32
    %cond3A_3 = arith.cmpi ne, %convert_element_type3A, %cond3A : i32
    scf.if %cond3A_3 {
      %broadcast_in_dim3A_48 = arith.constant 0.000000e+00 : f32
      %broadcast_in_dim3A_49 = vector.broadcast %broadcast_in_dim3A_48 : f32 to vector<64x1024xf32>
      %swap3A_50 = arith.constant 0 : index
      %swap3A_51 = arith.constant 0 : index
      %swap3A_52 = vector.load %arg7[%swap3A_50, %swap3A_51] : memref<64x1024xf32, #tpu.memory_space<vmem>>, vector<64x1024xf32>
      tpu.vector_store %arg7[%swap3A_50, %swap3A_51], %broadcast_in_dim3A_49 {strides = array<i32>} : memref<64x1024xf32, #tpu.memory_space<vmem>>, vector<64x1024xf32>,
    } else {
    }
    %get3A = arith.index_cast %arg0 : i32 to index
    %get3A_4 = arith.constant 0 : index
    %get3A_5 = vector.load %arg2[%get3A, %get3A_4] : memref<8x64xf32, #tpu.memory_space<vmem>>, vector<1x64xf32>
    %get3A_6 = vector.shape_cast %get3A_5 : vector<1x64xf32> to vector<64xf32>
    %broadcast_in_dim3A = vector.shape_cast %get3A_6 : vector<64xf32> to vector<64x1xf32>
    %get3A_7 = arith.constant 0 : index
    %get3A_8 = arith.constant 0 : index
    %get3A_9 = vector.load %arg3[%get3A_7, %get3A_8] : memref<64x1024xf32, #tpu.memory_space<vmem>>, vector<64x1024xf32>
    %convert_element_type3A_10 = arith.truncf %get3A_9 : vector<64x1024xf32> to vector<64x1024xbf16>
    %get3A_11 = arith.constant 0 : index
    %get3A_12 = arith.constant 0 : index
    %get3A_13 = arith.constant 0 : index
    %get3A_14 = vector.load %arg4[%get3A_11, %get3A_12, %get3A_13] : memref<1x1024x1024xf32, #tpu.memory_space<vmem>>, vector<1x1024x1024xf32>
    %get3A_15 = vector.shape_cast %get3A_14 : vector<1x1024x1024xf32> to vector<1024x1024xf32>
    %convert_element_type3A_16 = arith.truncf %get3A_15 : vector<1024x1024xf32> to vector<1024x1024xbf16>
    %get3A_17 = arith.constant 0 : index
    %get3A_18 = arith.constant 0 : index
    %get3A_19 = arith.constant 0 : index
    %get3A_20 = vector.load %arg5[%get3A_17, %get3A_18, %get3A_19] : memref<1x1024x1024xf32, #tpu.memory_space<vmem>>, vector<1x1024x1024xf32>
    %get3A_21 = vector.shape_cast %get3A_20 : vector<1x1024x1024xf32> to vector<1024x1024xf32>
    %convert_element_type3A_22 = arith.truncf %get3A_21 : vector<1024x1024xf32> to vector<1024x1024xbf16>
    %get3A_23 = arith.constant 0 : index
    %get3A_24 = arith.constant 0 : index
    %get3A_25 = arith.constant 0 : index
    %get3A_26 = vector.load %arg6[%get3A_23, %get3A_24, %get3A_25] : memref<1x1024x1024xf32, #tpu.memory_space<vmem>>, vector<1x1024x1024xf32>
    %get3A_27 = vector.shape_cast %get3A_26 : vector<1x1024x1024xf32> to vector<1024x1024xf32>
    %convert_element_type3A_28 = arith.truncf %get3A_27 : vector<1024x1024xf32> to vector<1024x1024xbf16>
    %dot_general3A = arith.constant dense<0.000000e+00> : vector<64x1024xf32>
    %dot_general3A_29 = tpu.matmul %convert_element_type3A_10, %convert_element_type3A_16, %dot_general3A {dimension_numbers = #tpu.dot_dimension_numbers<[1], [1], [0], [0], [0, 0, 1, 0], [], []>, transpose_lhs_hint = false} : vector<64x1024xbf16>, vector<1024x1024xbf16>, vector<64x1024xf32> -> vector<64x1024xf32>
    %dot_general3A_30 = arith.constant dense<0.000000e+00> : vector<64x1024xf32>
    %dot_general3A_31 = tpu.matmul %convert_element_type3A_10, %convert_element_type3A_22, %dot_general3A_30 {dimension_numbers = #tpu.dot_dimension_numbers<[1], [1], [0], [0], [0, 0, 1, 0], [], []>, transpose_lhs_hint = false} : vector<64x1024xbf16>, vector<1024x1024xbf16>, vector<64x1024xf32> -> vector<64x1024xf32>
    %logistic3A = arith.negf %dot_general3A_29 : vector<64x1024xf32>
    %logistic3A_32 = math.exp %logistic3A : vector<64x1024xf32>
    %logistic3A_33 = arith.constant 1.000000e+00 : f32
    %logistic3A_34 = vector.broadcast %logistic3A_33 : f32 to vector<64x1024xf32>
    %logistic3A_35 = arith.addf %logistic3A_34, %logistic3A_32 : vector<64x1024xf32>
    %logistic3A_36 = arith.divf %logistic3A_34, %logistic3A_35 : vector<64x1024xf32>
    %mul3A = arith.mulf %dot_general3A_29, %logistic3A_36 : vector<64x1024xf32>
    %mul3A_37 = arith.mulf %mul3A, %dot_general3A_31 : vector<64x1024xf32>
    %mul3A_38 = vector.broadcast %broadcast_in_dim3A : vector<64x1xf32> to vector<64x1024xf32>
    %mul3A_39 = arith.mulf %mul3A_37, %mul3A_38 : vector<64x1024xf32>
    %convert_element_type3A_40 = arith.truncf %mul3A_39 : vector<64x1024xf32> to vector<64x1024xbf16>
    %dot_general3A_41 = arith.constant dense<0.000000e+00> : vector<64x1024xf32>
    %dot_general3A_42 = tpu.matmul %convert_element_type3A_40, %convert_element_type3A_28, %dot_general3A_41 {dimension_numbers = #tpu.dot_dimension_numbers<[1], [1], [0], [0], [0, 0, 1, 0], [], []>, transpose_lhs_hint = false} : vector<64x1024xbf16>, vector<1024x1024xbf16>, vector<64x1024xf32> -> vector<64x1024xf32>
    %get3A_43 = arith.constant 0 : index
    %get3A_44 = arith.constant 0 : index
    %get3A_45 = vector.load %arg7[%get3A_43, %get3A_44] : memref<64x1024xf32, #tpu.memory_space<vmem>>, vector<64x1024xf32>
    %add3A = arith.addf %get3A_45, %dot_general3A_42 : vector<64x1024xf32>
    %swap3A = arith.constant 0 : index
    %swap3A_46 = arith.constant 0 : index
    %swap3A_47 = vector.load %arg7[%swap3A, %swap3A_46] : memref<64x1024xf32, #tpu.memory_space<vmem>>, vector<64x1024xf32>
    tpu.vector_store %arg7[%swap3A, %swap3A_46], %add3A {strides = array<i32>} : memref<64x1024xf32, #tpu.memory_space<vmem>>, vector<64x1024xf32>,
    return
  }
  func.func @transform_0(%arg0: i32, %arg1: i32) -> (i32, i32) {
    %c0_i32 = arith.constant 0 : i32
    %c0_i32_0 = arith.constant 0 : i32
    %c0_i32_1 = arith.constant 0 : i32
    return %c0_i32, %c0_i32_0 : i32, i32
  }
  func.func @transform_1(%arg0: i32, %arg1: i32) -> (i32, i32) {
    %c0_i32 = arith.constant 0 : i32
    %c0_i32_0 = arith.constant 0 : i32
    %c0_i32_1 = arith.constant 0 : i32
    return %c0_i32, %c0_i32_0 : i32, i32
  }
  func.func @transform_2(%arg0: i32, %arg1: i32) -> (i32, i32, i32) {
    %c0_i32 = arith.constant 0 : i32
    %c0_i32_0 = arith.constant 0 : i32
    return %arg0, %arg1, %c0_i32 : i32, i32, i32
  }
  func.func @transform_3(%arg0: i32, %arg1: i32) -> (i32, i32, i32) {
    %add3A = arith.constant 4 : i32
    %add3A_0 = arith.addi %add3A, %arg1 : i32
    %c0_i32 = arith.constant 0 : i32
    %c0_i32_1 = arith.constant 0 : i32
    return %arg0, %add3A_0, %c0_i32 : i32, i32, i32
  }
  func.func @transform_4(%arg0: i32, %arg1: i32) -> (i32, i32, i32) {
    %c0_i32 = arith.constant 0 : i32
    %c0_i32_0 = arith.constant 0 : i32
    return %arg0, %c0_i32, %arg1 : i32, i32, i32
  }
  func.func @transform_5(%arg0: i32, %arg1: i32) -> (i32, i32) {
    %c0_i32 = arith.constant 0 : i32
    %c0_i32_0 = arith.constant 0 : i32
    %c0_i32_1 = arith.constant 0 : i32
    return %c0_i32, %c0_i32_0 : i32, i32
  }
}

</mosaic_0001>

<sc_bundles>
// kernel: kernel.4.cloned.1.call-start
scs
__scs_entry_jumppad:
0x0: {  	(pc) =	sbr.rel $0x88, $3  }
0x1: {  	(tag) =	ssettag $0x0;
	lr =	simm.s32 $0x1  }
0x2: {  	[smem:$0x3F9C] =	sst lr;
	_ =	strace $0xD0000000  }
0x3: {  	_ = 	snop  }
0x4: {  	_ = 	snop  }
0x5: {  	_ = 	snop  }
0x6: {  	_ = 	snop  }
0x7: {  	_ = 	snop  }
__scs_overlays_trampoline_lowered:
0x8: {  	[smem:$0x3FAB] =	sst s0  }
0x9: {  	[smem:$0x3FAC] =	sst s1  }
0xa: {  	[smem:$0x3FAD] =	sst s2  }
0xb: {  	[smem:$0x3FAE] =	sst s3  }
0xc: {  	[smem:$0x3FAF] =	sst s4  }
0xd: {  	[smem:$0x3FB0] =	sst s5  }
0xe: {  	[smem:$0x3FB1] =	sst s6  }
0xf: {  	[smem:$0x3FB2] =	sst s7  }
0x10: {  	[smem:$0x3FB3] =	sst s8  }
0x11: {  	[smem:$0x3FB4] =	sst s9;
	s0 =	simm.s32 @!p0 $0x0  }
0x12: {  	s1 =	sld [smem:$0x3F9A];
	s0 =	simm.s32 @p0 $0x1  }
0x13: {  	[smem:$0x3FB5] =	sst s0;
	s0 =	simm.s32 @!p1 $0x0  }
0x14: {  	s2 =	sld [smem:$0x3F99];
	s0 =	simm.s32 @p1 $0x1  }
0x15: {  	[smem:$0x3FB6] =	sst s0;
	s0 =	simm.s32 @!p2 $0x0  }
0x16: {  	s3 =	sld [smem:$0x3FDB];
	s0 =	simm.s32 @p2 $0x1  }
0x17: {  	s4 =	simm.s32 $0x1BF5;
	[smem:$0x3FB8] =	sst s0  }
0x18: {  	s0 =	sld [smem:$0x3F9B];
	_ =	swait.ge [sflag:s4], $0x0  }
0x19: {  	s7 =	sld [smem:$0x3F9C]  }
0x1a: {  	s8 =	sadd.s32 $0xFFFFE003, lr  }
0x1b: {  	s9 =	sadd.s32 $0xFFFFFEF7, lr;
	s5 =	simm.s32 $0xFFFFFFFF;
	p2 =	slt.u32 s8, $0xFFFFF086  }
0x1c: {  	p1 =	slt.u32 s9, $0xF7A;
	s5 =	simm.s32 @!p2 $0x0  }
0x1d: {  	s5 =	simm.s32 @p1 $0x1;
	p0 =	seq.s32 s7, s2  }
0x1e: {  	s7 =	smul.u32 @!p0 $0xF7A, s2;
	p2 =	seq.s32 @!p0 s5, $0x0  }
0x1f: {  	s9 =	smul.u32 $0xF7A, s1;
	s8 =	simm.s32 @!p0 $0x1BF5;
	p2 =	por !p2, p0  }
0x20: {  	[sflag:s8] =	ssyncset.s32 @!p0 $0xFFFFF086;
	s6 =	sadd.s32 @!p0 s3, s7;
	s7 =	simm.s32 @!p0 $0x108  }
0x21: {  	s3 =	sadd.s32 s3, s9;
	s6 =	sadd.s32 @!p0 $0x88, s6;
	s7 =	simm.s32 @p2 $0x1082  }
0x22: {  	[simem:s7], [sflag:s8] =	dma.local @!p0 [hbm:s6], $0xF7A  }
0x23: {  	s9 =	sor.u32 $0xD0000000, s2;
	s6 =	simm.s32 $0x108;
	_ =	swait.ge @!p0 [sflag:s8], $0x0  }
0x24: {  	s3 =	sadd.s32 $0x88, s3;
	s6 =	simm.s32 @!p1 $0x1082;
	[sflag:s4] =	ssyncset.s32 $0xFFFFF086  }
0x25: {  	[simem:s6], [sflag:s4] =	dma.local [hbm:s3], $0xF7A  }
0x26: {  	[smem:$0x3F9C] =	sst s1;
	(tag) =	ssettag s2;
	_ =	strace s9  }
0x27: {  	s1 =	sld [smem:$0x3FAC]  }
0x28: {  	s2 =	sld [smem:$0x3FAD]  }
0x29: {  	s4 =	sld [smem:$0x3FAF]  }
0x2a: {  	p0 =	seq.s32 s5, $0x0;
	s5 =	sld [smem:$0x3FB0]  }
0x2b: {  	s6 =	sld [smem:$0x3FB1]  }
0x2c: {  	s7 =	sld [smem:$0x3FB2]  }
0x2d: {  	s3 =	simm.s32 $0x108;
	s8 =	sld [smem:$0x3FB3]  }
0x2e: {  	s3 =	simm.s32 @!p0 $0x1082;
	s9 =	sld [smem:$0x3FB4]  }
0x2f: {  	lr =	sadd.s32 s0, s3;
	s0 =	sld [smem:$0x3FAB]  }
0x30: {  	s3 =	sld [smem:$0x3FAE]  }
0x31: {  	[smem:$0x3FB7] =	sst s10  }
0x32: {  	s10 =	sld [smem:$0x3FB5];
	_ =	sdelay $0x3  }
0x33: {  	p0 =	seq.s32 s10, $0x1;
	s10 =	sld [smem:$0x3FB7];
	_ =	sdelay $0x3  }
0x34: {  	[smem:$0x3FB7] =	sst s10  }
0x35: {  	s10 =	sld [smem:$0x3FB6];
	_ =	sdelay $0x3  }
0x36: {  	p1 =	seq.s32 s10, $0x1;
	s10 =	sld [smem:$0x3FB7];
	_ =	sdelay $0x3  }
0x37: {  	[smem:$0x3FB7] =	sst s10  }
0x38: {  	s10 =	sld [smem:$0x3FB8]  }
0x39: {  	_ = 	snop;
	(pc) =	sbr.ind lr, $3  }
0x3a: {  	_ = 	snop  }
0x3b: {  	_ = 	snop  }
0x3c: {  	p2 =	seq.s32 s10, $0x1;
	s10 =	sld [smem:$0x3FB7]  }
0x3d: {  	_ =	shalt  }
0x3e: {  	_ =	shalt  }
0x3f: {  	_ =	shalt  }
0x40: {  	_ =	shalt  }
0x41: {  	_ =	shalt  }
0x42: {  	_ =	shalt  }
0x43: {  	_ =	shalt  }
0x44: {  	_ =	shalt  }
0x45: {  	_ =	shalt  }
0x46: {  	_ =	shalt  }
0x47: {  	_ =	shalt  }
0x48: {  	_ =	shalt  }
0x49: {  	_ =	shalt  }
0x4a: {  	_ =	shalt  }
0x4b: {  	_ =	shalt  }
0x4c: {  	_ =	shalt  }
0x4d: {  	_ =	shalt  }
0x4e: {  	_ =	shalt  }
0x4f: {  	_ =	shalt  }
0x50: {  	_ =	shalt  }
0x51: {  	_ =	shalt  }
0x52: {  	_ =	shalt  }
0x53: {  	_ =	shalt  }
0x54: {  	_ =	shalt  }
0x55: {  	_ =	shalt  }
0x56: {  	_ =	shalt  }
0x57: {  	_ =	shalt  }
0x58: {  	_ =	shalt  }
0x59: {  	_ =	shalt  }
0x5a: {  	_ =	shalt  }
0x5b: {  	_ =	shalt  }
0x5c: {  	_ =	shalt  }
0x5d: {  	_ =	shalt  }
0x5e: {  	_ =	shalt  }
0x5f: {  	_ =	shalt  }
0x60: {  	_ =	shalt  }
0x61: {  	_ =	shalt  }
0x62: {  	_ =	shalt  }
0x63: {  	_ =	shalt  }
0x64: {  	_ =	shalt  }
0x65: {  	_ =	shalt  }
0x66: {  	_ =	shalt  }
0x67: {  	_ =	shalt  }
0x68: {  	_ =	shalt  }
0x69: {  	_ =	shalt  }
0x6a: {  	_ =	shalt  }
0x6b: {  	_ =	shalt  }
0x6c: {  	_ =	shalt  }
0x6d: {  	_ =	shalt  }
0x6e: {  	_ =	shalt  }
0x6f: {  	_ =	shalt  }
0x70: {  	_ =	shalt  }
0x71: {  	_ =	shalt  }
0x72: {  	_ =	shalt  }
0x73: {  	_ =	shalt  }
0x74: {  	_ =	shalt  }
0x75: {  	_ =	shalt  }
0x76: {  	_ =	shalt  }
0x77: {  	_ =	shalt  }
0x78: {  	_ =	shalt  }
0x79: {  	_ =	shalt  }
0x7a: {  	_ =	shalt  }
0x7b: {  	_ =	shalt  }
0x7c: {  	_ =	shalt  }
0x7d: {  	_ =	shalt  }
0x7e: {  	_ =	shalt  }
0x7f: {  	_ =	shalt  }
0x80: {  	_ =	shalt  }
0x81: {  	_ =	shalt  }
0x82: {  	_ =	shalt  }
0x83: {  	_ =	shalt  }
0x84: {  	_ =	shalt  }
0x85: {  	_ =	shalt  }
0x86: {  	_ =	shalt  }
0x87: {  	_ =	shalt  }
.Lfunc_end0:
.L_simem_size_0:
called_computation_lowered:
.L_overlay_start_0:
0x88: {  	s2 =	sld [smem:$0x3FD9]  }
0x89: {  	s3 =	sld [smem:$0x3FFE];
	_ =	sdelay $0x1  }
0x8a: {  	s1 =	srdreg.scid  }
0x8b: {  	s0 =	sand.u32 $0x1, s1  }
0x8c: {  	s17 =	sshll.u32 s0, $0xA;
	s2 =	sadd.s32 s3, s2  }
0x8d: {  	s2 =	sadd.s32 s2, s17  }
0x8e: {  	[smem:$0x3FC3] =	sst s2  }
0x8f: {  	_ = 	snop  }
0x90: {  	s2 =	sld [smem:$0x3FD0];
	(tm) =	ssettm $0x1  }
0x91: {  	s18 =	sld [smem:$0x3FFB];
	_ =	sdelay $0x3  }
0x92: {  	_ =	strace s18  }
0x93: {  	s3 =	sld [smem:$0x3FFC];
	_ =	sdelay $0x3  }
0x94: {  	_ =	strace s3  }
0x95: {  	s3 =	sld [smem:$0x3FFD];
	_ =	sdelay $0x3  }
0x96: {  	_ =	strace s3  }
0x97: {  	_ =	strace $0x8FFFFFFF  }
0x98: {  	s19 =	sld [smem:$0x3FDB];
	_ =	sdelay $0x1  }
0x99: {  	s4 =	simm.s32 $_scs_section_size  }
0x9a: {  	s5 =	simm.s32 $_size__tile_overlayer_lowered;
	s6 =	simm.s32 $_tile_overlayer_lowered  }
0x9b: {  	s22 =	simm.s32 $0x1BFF;
	s21 =	sshll.u32 s6, $0x1;
	s3 =	sadd.s32 s4, s19  }
0x9c: {  	s7 =	simm.s32 $0x0;
	s20 =	sshll.u32 s5, $0x1;
	s5 =	sadd.s32 s21, s3  }
0x9d: {  	[timem:s7], [sflag:s22] =	dma.local [hbm:s5], s20  }
0x9e: {  	_ =	swait.ge [sflag:s22], s20  }
0x9f: {  	s4 =	ssub.s32 $0x0, s20;
	[sflag:s22] =	ssyncset.done $0x0  }
0xa0: {  	[sflag:s22] =	ssyncadd.s32 s4;
	_ =	sdelay $0x1  }
0xa1: {  	s23 =	simm.s32 $0x1B8B  }
0xa2: {  	_ =	swait.ge [sflag:s23], $0x1  }
0xa3: {  	[sflag:s23] =	ssyncset.done $0x0  }
0xa4: {  	s25 =	simm.s32 $0x1B8E;
	s24 =	sld [smem:$0x3FFE];
	[sflag:s23] =	ssyncadd.s32 $0xFFFFFFFF  }
0xa5: {  	s26 =	simm.s32 $execute0_lowered;
	[smem:$0x3FD2] =	sst s25  }
0xa6: {  	s5 =	sshll.u32 s26, $0x1;
	_ =	strace $0x80000046;
	[dreg:$0x1] =	wrdreg $0xFFFFFFFF  }
0xa7: {  	s28 =	simm.s32 $_size_execute0_lowered;
	s3 =	sadd.s32 s3, s5;
	[dreg:$0x0] =	wrdreg $0x0  }
0xa8: {  	s5 =	sshll.u32 s28, $0x1;
	[dreg:$0x2] =	wrdreg s3  }
0xa9: {  	[dreg:$0x3] =	wrdreg s5  }
0xaa: {  	[dreg:$0x4] =	wrdreg $0xC0  }
0xab: {  	_ =	task [dreg:s7], $0x5FFFF  }
0xac: {  	[dreg:$0x1] =	wrdreg $0xFFFFFFFF  }
0xad: {  	[dreg:$0x0] =	wrdreg $0x60  }
0xae: {  	[dreg:$0x2] =	wrdreg s24  }
0xaf: {  	[dreg:$0x3] =	wrdreg s2  }
0xb0: {  	[dreg:$0x4] =	wrdreg $0x9  }
0xb1: {  	_ =	task.clear_ibuf [dreg:s7], $0x5FFFF;
	_ =	strace $0x90000046  }
0xb2: {  	s29 =	simm.s32 $0x9;
	_ =	strace $0x80000048  }
0xb3: {  	_ =	swait.ge [sflag:s29], $0x1  }
0xb4: {  	[sflag:s29] =	ssyncadd.s32 $0xFFFFFFFF  }
0xb5: {  	_ =	strace $0x90000048  }
0xb6: {  	_ =	sfence  }
0xb7: {  	s30 =	sld [smem:$0x0];
	_ =	sdelay $0x2  }
0xb8: {  	s31 =	sshll.u32 s1, $0xD;
	s1 =	sshrl.u32 s1, $0x2  }
0xb9: {  	s3 =	sand.u32 $0x4000, s31;
	s1 =	sadd.s32 s1, s30  }
0xba: {  	s0 =	sor.u32 s3, s0;
	s1 =	sshll.u32 s1, $0x11  }
0xbb: {  	s0 =	sor.u32 s1, s0  }
0xbc: {  	s0 =	sadd.s32 $0x8F2B, s0  }
0xbd: {  	[sflag:s0] =	ssyncadd.remote.s32 $0x1  }
0xbe: {  	_ =	sfence.sel $0xFFFF  }
0xbf: {  	[dreg:$0x0] =	wrdreg $0xFFFFFFFF;
	(pc) =	sbr.abs _section_cstart, $3  }
0xc0: {  	[dreg:$0x1] =	wrdreg $0xFFFFFFFF  }
0xc1: {  	_ =	task.clear_ibuf [dreg:s7], $0x2FFFF;
	_ =	strace $0x9FFFFFFF  }
0xc2: {  	(tm) =	ssettm $0x7FFFFFFF  }
0xc3: {  	_ =	shalt  }
tec
execute0_lowered:
.L_overlay_start_1:
0x0: {  	(tag) =	ssettag $0x1  }
0x1: {  	s0 =	srdreg.scid  }
0x2: {  	s3 =	sand.u32 $0x1, s0;
	s0 =	stileid.u32  }
0x3: {  	s4 =	sshll.u32 s0, $0x1;
	s5 =	ssub.s32 $0x0, s3  }
0x4: {  	p0 =	sne.s32 s4, s5  }
.Ltmp0:
0x5: {  	_ = 	snop;
	(pc) =	sbr.rel @p0 .LBB2_3-.Ltmp0, $4  }
0x6: {  	_ = 	snop  }
0x7: {  	s6 =	rddreg [dreg:$0x0]  }
0x8: {  	s2 =	rddreg [dreg:$0x1]  }
0x9: {  	s1 =	rddreg [dreg:$0x2];
	_ =	strace $0x80000047  }
0xa: {  	s5 =	ssub.s32 $0x2, s3;
	s3 =	sadd.s32 $0xC00, s6  }
0xb: {  	s4 =	sadd.s32 $0xA00, s6;
	s8 =	simm.s32 $0x0;
	s9 =	simm.s32 $0x1  }
0xc: {  	s10 =	simm.s32 $0x80;
	s11 =	simm.s32 $0x100;
	s7 =	sshrl.u32 s5, $0x1  }
0xd: {  	s12 =	simm.s32 $0x180;
	s13 =	simm.s32 $0x200;
	s7 =	ssub.s32 s5, s7  }
0xe: {  	s5 =	sadd.s32 $0x1000, s6;
	s6 =	sadd.s32 $0xE00, s6;
	s7 =	smax.u32 s7, $0x1  }
.LBB2_2:
0xf: {  	[tilespmem:s8], [sflag:$0x1] =	stream.linear.gather [hbm4b:s3+s8], $0x80, $0x38;
	[tilespmem:$0x400] =	vst v63  }
0x10: {  	_ =	swait.ge [sflag:s9], $0x80  }
0x11: {  	[sflag:s9] =	ssyncset.done $0x0  }
0x12: {  	[sflag:s9] =	ssyncadd.s32 $0xFFFFFF80  }
0x13: {  	[tilespmem:s10], [sflag:$0x1] =	stream.linear.gather [hbm4b:s4+s8], $0x80, $0x38;
	[tilespmem:$0x400] =	vst v63  }
0x14: {  	_ =	swait.ge [sflag:s9], $0x80  }
0x15: {  	[sflag:s9] =	ssyncset.done $0x0  }
0x16: {  	[sflag:s9] =	ssyncadd.s32 $0xFFFFFF80  }
0x17: {  	[tilespmem:s11], [sflag:$0x1] =	stream.linear.gather [hbm4b:s5+s8], $0x80, $0x38;
	[tilespmem:$0x400] =	vst v63  }
0x18: {  	_ =	swait.ge [sflag:s9], $0x80  }
0x19: {  	[sflag:s9] =	ssyncset.done $0x0  }
0x1a: {  	[sflag:s9] =	ssyncadd.s32 $0xFFFFFF80  }
0x1b: {  	[tilespmem:s12], [sflag:$0x1] =	stream.linear.gather [hbm4b:s6+s8], $0x80, $0x38;
	[tilespmem:$0x400] =	vst v63  }
0x1c: {  	_ =	swait.ge [sflag:s9], $0x80  }
0x1d: {  	[sflag:s9] =	ssyncset.done $0x0  }
0x1e: {  	[sflag:s9] =	ssyncadd.s32 $0xFFFFFF80  }
0x1f: {  	v2 =	vld [tilespmem:$0x0]  }
0x20: {  	v3 =	vld [tilespmem:$0x100]  }
0x21: {  	v5 =	vld [tilespmem:$0x80]  }
0x22: {  	v12 =	vld [tilespmem:$0x180]  }
0x23: {  	v13 =	vld [tilespmem:$0x10]  }
0x24: {  	v16 =	vld [tilespmem:$0x110]  }
0x25: {  	v17 =	vld [tilespmem:$0x90]  }
0x26: {  	v18 =	vld [tilespmem:$0x190]  }
0x27: {  	v19 =	vld [tilespmem:$0x20]  }
0x28: {  	v20 =	vld [tilespmem:$0x120]  }
0x29: {  	v21 =	vld [tilespmem:$0xA0]  }
0x2a: {  	v22 =	vld [tilespmem:$0x1A0]  }
0x2b: {  	v23 =	vld [tilespmem:$0x30]  }
0x2c: {  	v24 =	vld [tilespmem:$0x130]  }
0x2d: {  	v25 =	vld [tilespmem:$0xB0]  }
0x2e: {  	v26 =	vld [tilespmem:$0x1B0]  }
0x2f: {  	v27 =	vld [tilespmem:$0x0]  }
0x30: {  	v28 =	vld [tilespmem:$0x100]  }
0x31: {  	v29 =	vld [tilespmem:$0x80]  }
0x32: {  	v30 =	vld [tilespmem:$0x180]  }
0x33: {  	v31 =	vld [tilespmem:$0x10]  }
0x34: {  	v32 =	vld [tilespmem:$0x110]  }
0x35: {  	v33 =	vld [tilespmem:$0x90]  }
0x36: {  	v34 =	vld [tilespmem:$0x190]  }
0x37: {  	v35 =	vld [tilespmem:$0x20]  }
0x38: {  	v36 =	vld [tilespmem:$0x120]  }
0x39: {  	v37 =	vld [tilespmem:$0xA0]  }
0x3a: {  	v38 =	vld [tilespmem:$0x1A0]  }
0x3b: {  	v39 =	vld [tilespmem:$0x30]  }
0x3c: {  	v40 =	vld [tilespmem:$0x130]  }
0x3d: {  	v41 =	vld [tilespmem:$0xB0]  }
0x3e: {  	v42 =	vld [tilespmem:$0x1B0]  }
0x3f: {  	v43 =	vld [tilespmem:$0x0]  }
0x40: {  	v44 =	vld [tilespmem:$0x100]  }
0x41: {  	v45 =	vld [tilespmem:$0x80]  }
0x42: {  	v46 =	vld [tilespmem:$0x180]  }
0x43: {  	v47 =	vld [tilespmem:$0x10]  }
0x44: {  	v48 =	vld [tilespmem:$0x110]  }
0x45: {  	v49 =	vld [tilespmem:$0x90]  }
0x46: {  	v50 =	vld [tilespmem:$0x190]  }
0x47: {  	v51 =	vld [tilespmem:$0x20]  }
0x48: {  	v52 =	vld [tilespmem:$0x120]  }
0x49: {  	v53 =	vld [tilespmem:$0xA0]  }
0x4a: {  	v54 =	vld [tilespmem:$0x1A0]  }
0x4b: {  	v55 =	vld [tilespmem:$0x30]  }
0x4c: {  	v56 =	vld [tilespmem:$0x130]  }
0x4d: {  	v57 =	vld [tilespmem:$0xB0]  }
0x4e: {  	v15 =	vld [tilespmem:$0x1B0]  }
0x4f: {  	v58 =	vld [tilespmem:$0x1B0]  }
0x50: {  	v59 =	vld [tilespmem:$0x0]  }
0x51: {  	v60 =	vld [tilespmem:$0x100]  }
0x52: {  	v61 =	vld [tilespmem:$0x80]  }
0x53: {  	[tilespmem:$0x1FF10] =	vst v15;
	v15 =	vld [tilespmem:$0x0]  }
0x54: {  	v62 =	vld [tilespmem:$0x180]  }
0x55: {  	v63 =	vld [tilespmem:$0x10]  }
0x56: {  	v4 =	vld [tilespmem:$0x110]  }
0x57: {  	v0 =	vld [tilespmem:$0x90]  }
0x58: {  	[tilespmem:$0x1FF00] =	vst v15;
	v15 =	vld [tilespmem:$0x100]  }
0x59: {  	v1 =	vld [tilespmem:$0x190]  }
0x5a: {  	v7 =	vld [tilespmem:$0x20]  }
0x5b: {  	v10 =	vld [tilespmem:$0x120]  }
0x5c: {  	v6 =	vld [tilespmem:$0xA0]  }
0x5d: {  	[tilespmem:$0x1FF30] =	vst v15;
	v15 =	vld [tilespmem:$0x80]  }
0x5e: {  	v8 =	vld [tilespmem:$0x1A0]  }
0x5f: {  	v9 =	vld [tilespmem:$0x30]  }
0x60: {  	v11 =	vld [tilespmem:$0x130]  }
0x61: {  	v14 =	vld [tilespmem:$0xB0]  }
0x62: {  	[tilespmem:$0x1FF20] =	vst v15;
	v15 =	vld [tilespmem:$0x180]  }
0x63: {  	vm0 =	veq.s32 v2, $0x0;
	v2 =	vld [tilespmem:$0xB0]  }
0x64: {  	vm1 =	veq.s32 v5, $0x0;
	v5 =	vld [tilespmem:$0x1B0]  }
0x65: {  	vm13 =	veq.s32 v17, $0x0;
	v17 =	vld [tilespmem:$0x100]  }
0x66: {  	vm2 =	veq.s32 v19, $0x0;
	v19 =	vld [tilespmem:$0x10]  }
0x67: {  	[tilespmem:$0x1FF40] =	vst v15;
	v15 =	vld [tilespmem:$0x10]  }
0x68: {  	vm15 =	veq.s32 v25, $0x0;
	v25 =	vld [tilespmem:$0x90]  }
0x69: {  	vm14 =	veq.s32 v23, $0x0;
	v23 =	vld [tilespmem:$0x190]  }
0x6a: {  	vm6 =	veq.s32 v27, $0x1;
	vm4 =	veq.s32 v7, $0x3;
	v7 =	vld [tilespmem:$0x20]  }
0x6b: {  	vm7 =	veq.s32 v29, $0x1;
	v29 =	vnsel vm6, $0x0, v28;
	v28 =	vld [tilespmem:$0x120]  }
0x6c: {  	vm8 =	veq.s32 v31, $0x1;
	[tilespmem:$0x1FF50] =	vst v15;
	v15 =	vld [tilespmem:$0x110]  }
0x6d: {  	vm9 =	veq.s32 v33, $0x1;
	vm10 =	veq.s32 v35, $0x1;
	v33 =	vnsel vm8, $0x0, v32;
	v32 =	vld [tilespmem:$0x30]  }
0x6e: {  	vm11 =	veq.s32 v37, $0x1;
	v37 =	vnsel vm10, $0x0, v36;
	v36 =	vld [tilespmem:$0x130]  }
0x6f: {  	vm12 =	veq.s32 v13, $0x0;
	v35 =	vnsel vm9, $0x0, v34;
	v34 =	vld [tilespmem:$0xB0]  }
0x70: {  	v13 =	vnsel vm12, $0x0, v16;
	vm12 =	veq.s32 v39, $0x1;
	v39 =	vld [tilespmem:$0x0]  }
0x71: {  	vm5 =	veq.s32 v6, $0x3;
	[tilespmem:$0x1FF70] =	vst v15;
	v15 =	vld [tilespmem:$0x90]  }
0x72: {  	v6 =	vnsel vm5, $0x0, v8;
	v8 =	vld [tilespmem:$0x120]  }
0x73: {  	v3 =	vnsel vm0, $0x0, v3;
	v12 =	vnsel vm1, $0x0, v12;
	vm10 =	veq.s32 v55, $0x2;
	v55 =	vld [tilespmem:$0x0]  }
0x74: {  	vm3 =	veq.s32 v21, $0x0;
	v21 =	vnsel vm13, $0x0, v18;
	v3 =	vadd.f32 v12, v3;
	v12 =	vld [tilespmem:$0x0]  }
0x75: {  	v16 =	vadd.f32 v21, v13;
	v13 =	vld [tilespmem:$0x180]  }
0x76: {  	v30 =	vnsel vm7, $0x0, v30;
	[tilespmem:$0x1FF60] =	vst v15;
	v15 =	vld [tilespmem:$0x190]  }
0x77: {  	vm13 =	veq.s32 v41, $0x1;
	v21 =	vnsel vm2, $0x0, v20;
	v20 =	vnsel vm14, $0x0, v24;
	v24 =	vld [tilespmem:$0x20]  }
0x78: {  	vm7 =	veq.s32 v49, $0x2;
	vm8 =	veq.s32 v51, $0x2;
	v41 =	vnsel vm12, $0x0, v40;
	v40 =	vld [tilespmem:$0x80]  }
0x79: {  	vm14 =	veq.s32 v43, $0x2;
	v51 =	vnsel vm7, $0x0, v50;
	vm7 =	veq.s32 v14, $0x3;
	v14 =	vld [tilespmem:$0x1FF10]  }
0x7a: {  	v43 =	vnsel vm13, $0x0, v42;
	vm13 =	veq.s32 v61, $0x3;
	v61 =	vnsel vm4, $0x0, v10;
	v10 =	vld [tilespmem:$0xA0]  }
0x7b: {  	v22 =	vnsel vm3, $0x0, v22;
	[tilespmem:$0x1FF80] =	vst v15;
	v15 =	vld [tilespmem:$0x20]  }
0x7c: {  	v18 =	vadd.f32 v22, v21;
	v21 =	vld [tilespmem:$0x110]  }
0x7d: {  	v22 =	vadd.f32 v30, v29;
	v30 =	vld [tilespmem:$0xA0]  }
0x7e: {  	v38 =	vnsel vm11, $0x0, v38;
	v29 =	vld [tilespmem:$0x1A0]  }
0x7f: {  	vm9 =	veq.s32 v53, $0x2;
	vm11 =	veq.s32 v57, $0x2;
	v31 =	vadd.f32 v43, v41;
	v41 =	vld [tilespmem:$0x100]  }
0x80: {  	v27 =	vadd.f32 v38, v37;
	v53 =	vnsel vm8, $0x0, v52;
	v54 =	vnsel vm9, $0x0, v54;
	[tilespmem:$0x1FF90] =	vst v15;
	v15 =	vld [tilespmem:$0x120]  }
0x81: {  	v57 =	vnsel vm10, $0x0, v56;
	v58 =	vnsel vm11, $0x0, v58;
	v38 =	vadd.f32 v54, v53;
	v53 =	vld [tilespmem:$0x1B0]  }
0x82: {  	vm12 =	veq.s32 v59, $0x3;
	v42 =	vadd.f32 v58, v57;
	v57 =	vld [tilespmem:$0x100]  }
0x83: {  	v59 =	vnsel vm12, $0x0, v60;
	v60 =	vnsel vm13, $0x0, v62;
	v58 =	vld [tilespmem:$0x80]  }
0x84: {  	v43 =	vadd.f32 v60, v59;
	v60 =	vld [tilespmem:$0x180]  }
0x85: {  	[tilespmem:$0x1FFA0] =	vst v15;
	v15 =	vld [tilespmem:$0xA0]  }
0x86: {  	[tilespmem:$0x270] =	vst v31;
	v31 =	vld [tilespmem:$0x110]  }
0x87: {  	[tilespmem:$0x2B0] =	vst v42;
	v42 =	vld [tilespmem:$0x20]  }
0x88: {  	[tilespmem:$0x1FFF0] =	vst v12;
	v12 =	vld [tilespmem:$0x80]  }
0x89: {  	vm6 =	veq.s32 v47, $0x2;
	v56 =	vld [tilespmem:$0x1FFF0]  }
0x8a: {  	v49 =	vnsel vm6, $0x0, v48;
	vm6 =	veq.s32 v9, $0x3;
	[tilespmem:$0x1FFB0] =	vst v15;
	v15 =	vld [tilespmem:$0x1A0]  }
0x8b: {  	v62 =	vnsel vm6, $0x0, v11;
	v9 =	vnsel vm7, $0x0, v14;
	v14 =	vld [tilespmem:$0x1A0]  }
0x8c: {  	[tilespmem:$0x200] =	vst v3;
	v3 =	vadd.f32 v6, v61;
	v6 =	vadd.f32 v9, v62;
	v62 =	vld [tilespmem:$0x10]  }
0x8d: {  	[tilespmem:$0x210] =	vst v16;
	v16 =	vld [tilespmem:$0x1FF30]  }
0x8e: {  	vm4 =	veq.s32 v56, $0x5;
	v56 =	vld [tilespmem:$0x1B0]  }
0x8f: {  	[tilespmem:$0x1FFD0] =	vst v15;
	v15 =	vld [tilespmem:$0x30]  }
0x90: {  	[tilespmem:$0x220] =	vst v18;
	v18 =	vld [tilespmem:$0x1FF40]  }
0x91: {  	[tilespmem:$0x240] =	vst v22;
	v22 =	vld [tilespmem:$0x1FF60]  }
0x92: {  	v47 =	vld [tilespmem:$0x1FF80]  }
0x93: {  	v48 =	vld [tilespmem:$0x1FF90]  }
0x94: {  	[tilespmem:$0x1FFC0] =	vst v15;
	v15 =	vld [tilespmem:$0x130]  }
0x95: {  	v37 =	vadd.f32 v51, v49;
	v49 =	vld [tilespmem:$0x1FFA0]  }
0x96: {  	vm6 =	veq.s32 v19, $0x5;
	vm7 =	veq.s32 v25, $0x5;
	vm5 =	veq.s32 v12, $0x5;
	v50 =	vld [tilespmem:$0x1FFB0]  }
0x97: {  	v59 =	vnsel vm6, $0x0, v21;
	v61 =	vnsel vm7, $0x0, v23;
	v13 =	vnsel vm5, $0x0, v13;
	v52 =	vld [tilespmem:$0x1FFD0]  }
0x98: {  	vm5 =	veq.s32 v10, $0x6;
	v17 =	vnsel vm4, $0x0, v17;
	vm4 =	veq.s32 v7, $0x6;
	v51 =	vld [tilespmem:$0x1FFC0]  }
0x99: {  	v13 =	vadd.f32 v13, v17;
	[tilespmem:$0x1FFE0] =	vst v15;
	v15 =	vnsel vm15, $0x0, v26;
	v26 =	vadd.f32 v35, v33;
	v35 =	vld [tilespmem:$0x1B0]  }
0x9a: {  	vm11 =	veq.s32 v22, $0x4;
	vm15 =	veq.s32 v45, $0x2;
	v45 =	vnsel vm14, $0x0, v44;
	v44 =	vld [tilespmem:$0x180]  }
0x9b: {  	vm12 =	veq.s32 v48, $0x4;
	vm13 =	veq.s32 v50, $0x4;
	vm14 =	veq.s32 v63, $0x3;
	v63 =	vld [tilespmem:$0x1FF00]  }
0x9c: {  	v48 =	vnsel vm5, $0x0, v14;
	v22 =	vnsel vm13, $0x0, v52;
	v20 =	vadd.f32 v15, v20;
	v15 =	vld [tilespmem:$0x1FF20]  }
0x9d: {  	[tilespmem:$0x260] =	vst v27;
	vm13 =	veq.s32 v40, $0x6;
	v46 =	vnsel vm15, $0x0, v46;
	vm15 =	veq.s32 v0, $0x3;
	v0 =	vld [tilespmem:$0x110]  }
0x9e: {  	[tilespmem:$0x290] =	vst v37;
	v4 =	vnsel vm14, $0x0, v4;
	vm14 =	veq.s32 v51, $0x4;
	v54 =	vld [tilespmem:$0x1FFE0];
	v1 =	vnsel vm15, $0x0, v1  }
0x9f: {  	[tilespmem:$0x2A0] =	vst v38;
	v33 =	vadd.f32 v46, v45;
	v46 =	vld [tilespmem:$0x90];
	vm15 =	veq.s32 v2, $0x4;
	v1 =	vadd.f32 v1, v4  }
0xa0: {  	[tilespmem:$0x2C0] =	vst v43;
	v4 =	vld [tilespmem:$0x190];
	v5 =	vnsel vm15, $0x0, v5;
	vm8 =	veq.s32 v63, $0x4;
	v63 =	vadd.f32 v61, v59  }
0xa1: {  	[tilespmem:$0x230] =	vst v20;
	v20 =	vld [tilespmem:$0x1FF50];
	v43 =	vnsel vm13, $0x0, v44;
	vm9 =	veq.s32 v15, $0x4;
	v9 =	vnsel vm8, $0x0, v16  }
0xa2: {  	[tilespmem:$0x250] =	vst v26;
	v26 =	vld [tilespmem:$0x1FF70];
	v16 =	vnsel vm11, $0x0, v47;
	vm8 =	veq.s32 v24, $0x5;
	vm11 =	veq.s32 v34, $0x5  }
0xa3: {  	[tilespmem:$0x2E0] =	vst v3;
	v45 =	vld [tilespmem:$0x10];
	v47 =	vnsel vm4, $0x0, v8;
	v11 =	vnsel vm9, $0x0, v18;
	vm9 =	veq.s32 v30, $0x5  }
0xa4: {  	[tilespmem:$0x2F0] =	vst v6;
	v44 =	vld [tilespmem:$0x120];
	v28 =	vnsel vm8, $0x0, v28;
	v38 =	vnsel vm11, $0x0, v35;
	vm15 =	veq.s32 v46, $0x6  }
0xa5: {  	[tilespmem:$0x340] =	vst v13;
	v34 =	vld [tilespmem:$0x90];
	v50 =	vadd.f32 v48, v47;
	vm8 =	veq.s32 v55, $0x7;
	v9 =	vadd.f32 v11, v9  }
0xa6: {  	[tilespmem:$0x280] =	vst v33;
	v18 =	vld [tilespmem:$0x130];
	vm10 =	veq.s32 v20, $0x4;
	v30 =	vnsel vm9, $0x0, v29;
	v4 =	vnsel vm15, $0x0, v4  }
0xa7: {  	[tilespmem:$0x2D0] =	vst v1;
	v20 =	vld [tilespmem:$0xB0];
	vm9 =	veq.s32 v58, $0x7;
	v15 =	vnsel vm10, $0x0, v26;
	v33 =	vadd.f32 v30, v28  }
0xa8: {  	v46 =	vld [tilespmem:$0x1A0];
	[tilespmem:$0x350] =	vst v63;
	vm10 =	veq.s32 v32, $0x5;
	v55 =	vnsel vm9, $0x0, v60;
	v15 =	vadd.f32 v16, v15  }
0xa9: {  	v11 =	vld [tilespmem:$0x30];
	[tilespmem:$0x3A0] =	vst v50;
	v16 =	vnsel vm12, $0x0, v49;
	v37 =	vnsel vm10, $0x0, v36;
	vm12 =	veq.s32 v39, $0x6  }
0xaa: {  	v39 =	vld [tilespmem:$0x190];
	[tilespmem:$0x300] =	vst v9;
	vm10 =	veq.s32 v62, $0x7;
	v16 =	vadd.f32 v22, v16;
	v22 =	vnsel vm14, $0x0, v54  }
0xab: {  	v49 =	vld [tilespmem:$0x30];
	v6 =	vadd.f32 v38, v37;
	v41 =	vnsel vm12, $0x0, v41;
	vm14 =	veq.s32 v45, $0x6;
	[tilespmem:$0x360] =	vst v33  }
0xac: {  	v45 =	vld [tilespmem:$0xA0];
	v54 =	vnsel vm8, $0x0, v57;
	vm11 =	veq.s32 v34, $0x7;
	[tilespmem:$0x310] =	vst v15;
	vm7 =	veq.s32 v20, $0x6  }
0xad: {  	v57 =	vnsel vm10, $0x0, v31;
	v5 =	vadd.f32 v5, v22;
	[tilespmem:$0x320] =	vst v16;
	v2 =	vnsel vm7, $0x0, v53;
	v53 =	vld [tilespmem:$0xB0]  }
0xae: {  	v52 =	vld [tilespmem:$0x130];
	v9 =	vadd.f32 v43, v41;
	v0 =	vnsel vm14, $0x0, v0;
	vm6 =	veq.s32 v11, $0x6;
	[tilespmem:$0x370] =	vst v6  }
0xaf: {  	vm12 =	veq.s32 v42, $0x7;
	v0 =	vadd.f32 v4, v0;
	[tilespmem:$0x330] =	vst v5;
	v51 =	vnsel vm6, $0x0, v18  }
0xb0: {  	v59 =	vnsel vm12, $0x0, v44;
	[tilespmem:$0x380] =	vst v9;
	v5 =	vadd.f32 v55, v54;
	v2 =	vadd.f32 v2, v51  }
0xb1: {  	[tilespmem:$0x390] =	vst v0;
	v58 =	vnsel vm11, $0x0, v39;
	vm14 =	veq.s32 v49, $0x7;
	vm13 =	veq.s32 v45, $0x7  }
0xb2: {  	v0 =	vadd.f32 v58, v57;
	[tilespmem:$0x3C0] =	vst v5;
	v60 =	vnsel vm13, $0x0, v46;
	vm15 =	veq.s32 v53, $0x7  }
0xb3: {  	v61 =	vnsel vm14, $0x0, v52;
	[tilespmem:$0x3B0] =	vst v2;
	v1 =	vadd.f32 v60, v59;
	v62 =	vnsel vm15, $0x0, v56  }
0xb4: {  	[tilespmem:$0x3D0] =	vst v0;
	v63 =	vadd.f32 v62, v61  }
0xb5: {  	p0 =	sne.s32 s7, $0x1;
	[tilespmem:$0x3E0] =	vst v1  }
.Ltmp1:
0xb6: {  	[tilespmem:$0x3F0] =	vst v63;
	(pc) =	sbr.rel @p0 .LBB2_2-.Ltmp1, $4  }
0xb7: {  	[hbm4b:s2+s8] =	stream.linear.scatter [tilespmem:s13], [sflag:$0x1], $0x200, $0x38;
	[tilespmem:$0x400] =	vst v63  }
0xb8: {  	_ =	swait.ge [sflag:s9], $0x200  }
0xb9: {  	[sflag:s9] =	ssyncset.done $0x0  }
0xba: {  	s7 =	sadd.s32 $0xFFFFFFFF, s7;
	[sflag:s9] =	ssyncadd.s32 $0xFFFFFE00  }
.LBB2_3:
0xbb: {  	_ =	sfence.sel $0x180000  }
0xbc: {  	[bflag:$0x0] =	sbarrier.arrive $0xFFFF  }
0xbd: {  	p0 =	sne.s32 s0, $0x0;
	_ =	strace $0x90000047  }
0xbe: {  	s0 =	sadd.s32 @!p0 $0x100000, s1;
	[bflag:$0x2] =	sbarrier.arrive $0xFFFF  }
0xbf: {  	[sflag:s0] =	ssyncadd.tile.s32 @!p0 $0x1;
	_ =	shalt  }
.Lfunc_end2:
_tile_overlayer_lowered:
.L_overlay_start_2:
0xc0: {  	(tag) =	ssettag $0x2  }
0xc1: {  	s0 =	rddreg [dreg:$0x0];
	s2 =	stileid.u32  }
0xc2: {  	s1 =	rddreg [dreg:$0x1];
	p0 =	sne.s32 s2, $0x0  }
0xc3: {  	s3 =	rddreg [dreg:$0x2];
	[bflag:$0x3] =	sbarrier.arrive $0xFFFF;
	s2 =	simm.s32 @!p0 $0x1C01  }
0xc4: {  	[timem:s3], [sflag:s2] =	dma.local @!p0 [hbm:s0], s1  }
0xc5: {  	s0 =	simm.s32 @!p0 $0x1  }
0xc6: {  	_ =	swait.ge @!p0 [sflag:s0], s1  }
0xc7: {  	s1 =	ssub.s32 @!p0 $0x0, s1;
	[sflag:s0] =	ssyncset.done @!p0 $0x0  }
0xc8: {  	[sflag:s0] =	ssyncadd.s32 @!p0 s1  }
0xc9: {  	[bflag:$0x3] =	sbarrier.arrive $0xFFFF  }
0xca: {  	_ =	shalt  }

</sc_bundles>
